<compile_context>
chip_gen: v7x
topology: tpu7x:2x2x1
jax: 0.10.2.dev20260603
libtpu: 0.0.44.dev20260713+nightly
codegen_flags: <defaults>
</compile_context>

<pallas_src>
import functools

import jax
import jax.numpy as jnp
from jax import lax
from jax.experimental import pallas as pl
from jax.experimental.pallas import tpu as pltpu
from jax.experimental.pallas import tpu_sc as plsc

N = 10000
D = 128
E = 320000
NP = 10240
EP = 327680
NC = 2
NS = 16
NW = NC * NS
C = 128
K = EP // (NW * C)
KS = 16
CA = 64
KA = EP // (NW * CA)
KAS = 40
NB = 4
RT = NP // NS

_mesh = plsc.VectorSubcoreMesh(core_axis_name="c", subcore_axis_name="s")


@functools.partial(
    pl.kernel,
    out_type=jax.ShapeDtypeStruct((NC, NP), jnp.float32),
    mesh=_mesh,
    scratch_types=[
        pltpu.VMEM((K, C), jnp.int32),
        pltpu.VMEM((C,), jnp.float32),
        pltpu.VMEM_SHARED((NP,), jnp.float32),
        [pltpu.SemaphoreType.DMA] * NB,
    ],
)
def _sc_counts(dst_hbm, zeros1_hbm, cnt_hbm, idx_v, ones_v, cnt_sh, csems):
    cid = lax.axis_index("c")
    sid = lax.axis_index("s")
    wid = cid * NS + sid
    pltpu.sync_copy(zeros1_hbm.at[pl.ds(sid * RT, RT)],
                    cnt_sh.at[pl.ds(sid * RT, RT)])
    for j in range(C // 16):
        ones_v[pl.ds(j * 16, 16)] = jnp.ones((16,), jnp.float32)
    pltpu.sync_copy(dst_hbm.at[wid], idx_v)
    plsc.subcore_barrier()

    def body(g, carry):
        for b in range(NB):
            j = g * NB + b
            pltpu.async_copy(ones_v, cnt_sh.at[idx_v.at[j]], csems[b],
                             add=True)

            @pl.when(j >= NB)
            def _():
                pltpu.make_async_copy(ones_v, cnt_sh.at[idx_v.at[j - NB]],
                                      csems[b]).wait()
        return carry

    lax.fori_loop(0, K // NB, body, 0)
    for b in range(NB):
        pltpu.make_async_copy(ones_v, cnt_sh.at[idx_v.at[K - NB + b]],
                              csems[(K - NB + b) % NB]).wait()
    plsc.subcore_barrier()
    pltpu.sync_copy(cnt_sh.at[pl.ds(sid * RT, RT)],
                    cnt_hbm.at[cid, pl.ds(sid * RT, RT)])


@functools.partial(
    pl.kernel,
    out_type=jax.ShapeDtypeStruct((NC, NP, D), jnp.float32),
    mesh=_mesh,
    scratch_types=[
        pltpu.VMEM((KAS, CA), jnp.int32),
        pltpu.VMEM((KAS, CA), jnp.int32),
        [pltpu.VMEM((CA, D), jnp.float32)] * NB,
        pltpu.VMEM_SHARED((NP, D), jnp.float32),
        [pltpu.SemaphoreType.DMA] * NB,
        [pltpu.SemaphoreType.DMA] * NB,
    ],
)
def _sc_agg(table_hbm, src_hbm, dst_hbm, zeros2_hbm, out_hbm,
            src_v, dst_v, rows, acc_sh, gsems, ssems):
    cid = lax.axis_index("c")
    sid = lax.axis_index("s")
    wid = cid * NS + sid
    pltpu.sync_copy(zeros2_hbm.at[pl.ds(sid * RT, RT)],
                    acc_sh.at[pl.ds(sid * RT, RT)])
    plsc.subcore_barrier()

    def gather(j, b):
        pltpu.async_copy(table_hbm.at[src_v.at[j]], rows[b], gsems[b])

    def wait_gather(j, b):
        pltpu.make_async_copy(table_hbm.at[src_v.at[j]],
                              rows[b], gsems[b]).wait()

    def scatter(j, b):
        pltpu.async_copy(rows[b], acc_sh.at[dst_v.at[j]], ssems[b], add=True)

    def wait_scatter(j, b):
        pltpu.make_async_copy(rows[b], acc_sh.at[dst_v.at[j]],
                              ssems[b]).wait()

    def stage(s, carry):
        pltpu.sync_copy(src_hbm.at[wid, pl.ds(s * KAS, KAS)], src_v)
        pltpu.sync_copy(dst_hbm.at[wid, pl.ds(s * KAS, KAS)], dst_v)
        gather(0, 0)
        gather(1, 1)

        def body(i, carry2):
            g = i * NB
            for b in range(NB):
                j = g + b
                wait_gather(j, b)
                scatter(j, b)
                b2 = (b + 2) % NB

                @pl.when(j >= 2)
                def _():
                    wait_scatter(j - 2, b2)

                @pl.when(j + 2 < KAS)
                def _():
                    gather(j + 2, b2)
            return carry2

        lax.fori_loop(0, KAS // NB, body, 0)
        wait_scatter(KAS - 2, (KAS - 2) % NB)
        wait_scatter(KAS - 1, (KAS - 1) % NB)
        return carry

    lax.fori_loop(0, KA // KAS, stage, 0)
    plsc.subcore_barrier()
    pltpu.sync_copy(acc_sh.at[pl.ds(sid * RT, RT)],
                    out_hbm.at[cid, pl.ds(sid * RT, RT)])


BLK = 512
_GRID = NP // BLK


def _dis_of(cnt_ref):
    deg = 1.0 + cnt_ref[0, :] + cnt_ref[1, :]
    return lax.rsqrt(deg)


def _tc_s1_body(cnt_ref, x_ref, w_ref, out_ref):
    dis = _dis_of(cnt_ref)
    xw = jnp.dot(x_ref[...], w_ref[...], preferred_element_type=jnp.float32)
    out_ref[...] = xw * dis[:, None]


def _tc_mid_body(cnt_ref, agg_ref, s_ref, b_ref, w_ref, out_ref):
    dis = _dis_of(cnt_ref)
    tot = agg_ref[0] + agg_ref[1] + s_ref[...]
    h = jnp.maximum(dis[:, None] * tot + b_ref[...], 0.0)
    hw = jnp.dot(h, w_ref[...], preferred_element_type=jnp.float32)
    out_ref[...] = hw * dis[:, None]


def _tc_out_body(cnt_ref, agg_ref, s_ref, b_ref, out_ref):
    dis = _dis_of(cnt_ref)
    o = dis[:, None] * (agg_ref[0] + agg_ref[1] + s_ref[...]) + b_ref[...]
    m = jnp.max(o, axis=1, keepdims=True)
    ex = jnp.exp(o - m)
    out_ref[...] = ex / jnp.sum(ex, axis=1, keepdims=True)


_cnt_spec = pl.BlockSpec((NC, BLK), lambda i: (0, i))
_row_spec = pl.BlockSpec((BLK, D), lambda i: (i, 0))
_agg_spec = pl.BlockSpec((NC, BLK, D), lambda i: (0, i, 0))
_w_spec = pl.BlockSpec((D, D), lambda i: (0, 0))
_b_spec = pl.BlockSpec((1, D), lambda i: (0, 0))
_out_sds = jax.ShapeDtypeStruct((NP, D), jnp.float32)

_tc_s1 = pl.pallas_call(
    _tc_s1_body, grid=(_GRID,),
    in_specs=[_cnt_spec, _row_spec, _w_spec],
    out_specs=_row_spec, out_shape=_out_sds)

_tc_mid = pl.pallas_call(
    _tc_mid_body, grid=(_GRID,),
    in_specs=[_cnt_spec, _agg_spec, _row_spec, _b_spec, _w_spec],
    out_specs=_row_spec, out_shape=_out_sds)

_tc_out = pl.pallas_call(
    _tc_out_body, grid=(_GRID,),
    in_specs=[_cnt_spec, _agg_spec, _row_spec, _b_spec],
    out_specs=_row_spec, out_shape=_out_sds)


def kernel(x, edge_index, W1, b1, W2, b2):
    src = edge_index[0].astype(jnp.int32)
    dst = edge_index[1].astype(jnp.int32)
    npad = EP - E
    pad_i = jnp.arange(npad, dtype=jnp.int32)
    src_flat = jnp.concatenate([src, pad_i % N])
    dst_flat = jnp.concatenate([dst, N + pad_i % (NP - N)])
    dst_p = dst_flat.reshape(NW, K, C)
    src_a = src_flat.reshape(NW, KA, CA)
    dst_a = dst_flat.reshape(NW, KA, CA)

    zeros1 = jnp.zeros((NP,), jnp.float32)
    zeros2 = jnp.zeros((NP, D), jnp.float32)
    xp = jnp.concatenate([x, jnp.zeros((NP - N, D), jnp.float32)], axis=0)

    cnt = _sc_counts(dst_p, zeros1)

    s1 = _tc_s1(cnt, xp, W1)
    agg1 = _sc_agg(s1, src_a, dst_a, zeros2)
    s2 = _tc_mid(cnt, agg1, s1, b1.reshape(1, D), W2)
    agg2 = _sc_agg(s2, src_a, dst_a, zeros2)
    out = _tc_out(cnt, agg2, s2, b2.reshape(1, D))
    return out[:N]

# --- scband reference (transcript-rebuilt; emitter-appended) ---
"""Pipeline reference for scband-gcnet-87522843558074 (READ-ONLY COPY).

The authoritative reference and input builder live on the scoring server;
editing this copy changes nothing except your own understanding.
"""

import jax, jax.numpy as jnp
import numpy as np

N_NODES = 10000
D_IN = 128
D_HID = 128
D_OUT = 128
N_EDGES = 320000


def _glorot(key, shape):
    fan_in, fan_out = shape[0], shape[1]
    limit = float(np.sqrt(6.0 / (fan_in + fan_out)))
    return jax.random.uniform(key, shape, dtype=jnp.float32, minval=-limit, maxval=limit)


def setup_inputs(seed: int = 0) -> dict:
    key = jax.random.key(seed)
    k_x, k_e, k_w1, k_w2 = jax.random.split(key, 4)
    x = jax.random.normal(k_x, (N_NODES, D_IN), dtype=jnp.float32)
    edge_index = jax.random.randint(k_e, (2, N_EDGES), 0, N_NODES, dtype=jnp.int64)
    W1 = _glorot(k_w1, (D_IN, D_HID))
    b1 = jnp.zeros((D_HID,), dtype=jnp.float32)
    W2 = _glorot(k_w2, (D_HID, D_OUT))
    b2 = jnp.zeros((D_OUT,), dtype=jnp.float32)
    return {"x": x, "edge_index": edge_index, "W1": W1, "b1": b1, "W2": W2, "b2": b2}


def _gcn_conv(x, edge_index, W, b):
    # PyG GCNConv: add self-loops, symmetric normalization D^-1/2 A_hat D^-1/2, x @ W, aggregate, + bias
    N = x.shape[0]
    loop = jnp.arange(N, dtype=edge_index.dtype)
    src = jnp.concatenate([edge_index[0], loop])
    dst = jnp.concatenate([edge_index[1], loop])
    ones = jnp.ones(src.shape[0], dtype=x.dtype)
    deg = jnp.zeros((N,), dtype=x.dtype).at[dst].add(ones)
    deg_inv_sqrt = jnp.where(deg > 0, jax.lax.rsqrt(deg), 0.0)
    norm = deg_inv_sqrt[src] * deg_inv_sqrt[dst]
    xw = x @ W
    msgs = xw[src] * norm[:, None]
    out = jnp.zeros((N, W.shape[1]), dtype=x.dtype).at[dst].add(msgs)
    return out + b


def reference(x, edge_index, W1, b1, W2, b2):
    h = _gcn_conv(x, edge_index, W1, b1)
    h = jax.nn.relu(h)
    h = _gcn_conv(h, edge_index, W2, b2)
    out = jax.nn.softmax(h, axis=1)
    return out

if __name__ == "__main__":
    import jax
    _d = setup_inputs()
    print(jax.jit(kernel)(*tuple(_d.values())))

</pallas_src>

<mosaic_0001>
#map = affine_map<(d0, d1) -> (0, 0, 0)>
#map1 = affine_map<(d0, d1) -> (0)>
#map2 = affine_map<(d0, d1) -> (0, 0)>
module attributes {stable_mosaic.version = 14 : i64} {
  func.func @_sc_counts(%arg0: i32, %arg1: i32, %arg2: memref<32x80x128xi32, #tpu.memory_space<hbm>>, %arg3: memref<10240xf32, #tpu.memory_space<hbm>>, %arg4: memref<2x10240xf32, #tpu.memory_space<hbm>>, %arg5: memref<80x128xi32, #tpu.memory_space<vmem>>, %arg6: memref<128xf32, #tpu.memory_space<vmem>>, %arg7: memref<10240xf32, #tpu.memory_space<vmem_shared>>, %arg8: memref<!tpu.dma_semaphore, #tpu.memory_space<semaphore_mem>>, %arg9: memref<!tpu.dma_semaphore, #tpu.memory_space<semaphore_mem>>, %arg10: memref<!tpu.dma_semaphore, #tpu.memory_space<semaphore_mem>>, %arg11: memref<!tpu.dma_semaphore, #tpu.memory_space<semaphore_mem>>) attributes {dimension_semantics = [#tpu.dimension_semantics<core_parallel>, #tpu.dimension_semantics<subcore_parallel>], iteration_bounds = array<i64: 2, 16>, scalar_prefetch = 0 : i64, scratch_operands = 7 : i64, tpu.core_type = #tpu.core_type<sc_vector_subcore>, window_params = [{transform_indices = #map}, {transform_indices = #map1}, {transform_indices = #map2}]} {
    %mul3A = arith.constant 16 : i32
    %mul3A_0 = arith.muli %arg0, %mul3A : i32
    %add3A = arith.addi %mul3A_0, %arg1 : i32
    %mul3A_1 = arith.constant 640 : i32
    %mul3A_2 = arith.muli %arg1, %mul3A_1 : i32
    %mul3A_3 = arith.constant 640 : i32
    %mul3A_4 = arith.muli %arg1, %mul3A_3 : i32
    "tpu.region"() ({
      %run_scoped3A = tpu.sem_alloc : memref<!tpu.dma_semaphore, #tpu.memory_space<semaphore_mem>>
      %dma_start3A = tpu.memref_slice %arg7[%mul3A_4] : memref<10240xf32, #tpu.memory_space<vmem_shared>> -> memref<640xf32, #tpu.memory_space<vmem_shared>>
      %dma_start3A_84 = tpu.memref_slice %arg3[%mul3A_2] : memref<10240xf32, #tpu.memory_space<hbm>> -> memref<640xf32, #tpu.memory_space<hbm>>
      tpu.enqueue_dma source(%dma_start3A_84 : memref<640xf32, #tpu.memory_space<hbm>>) target(%dma_start3A : memref<640xf32, #tpu.memory_space<vmem_shared>>) target_semaphore(%run_scoped3A : memref<!tpu.dma_semaphore, #tpu.memory_space<semaphore_mem>>)
      %dma_wait3A_85 = tpu.memref_slice %arg7[%mul3A_4] : memref<10240xf32, #tpu.memory_space<vmem_shared>> -> memref<640xf32, #tpu.memory_space<vmem_shared>>
      %dma_wait3A_86 = tpu.memref_slice %arg3[%mul3A_2] : memref<10240xf32, #tpu.memory_space<hbm>> -> memref<640xf32, #tpu.memory_space<hbm>>
      tpu.wait_dma2 semaphore(%run_scoped3A : memref<!tpu.dma_semaphore, #tpu.memory_space<semaphore_mem>>) src(%dma_wait3A_86 : memref<640xf32, #tpu.memory_space<hbm>>) dst(%dma_wait3A_85 : memref<640xf32, #tpu.memory_space<vmem_shared>>)
      tpu.yield
    }) : () -> ()
    %broadcast_in_dim3A = arith.constant 1.000000e+00 : f32
    %broadcast_in_dim3A_5 = vector.broadcast %broadcast_in_dim3A : f32 to vector<16xf32>
    %swap3A = arith.constant 0 : index
    %swap3A_6 = tpu.vector_load %arg6[%swap3A] {strides = array<i32>} : memref<128xf32, #tpu.memory_space<vmem>>, vector<16xf32>,
    %swap3A_7 = vector.shape_cast %swap3A_6 : vector<16xf32> to vector<16xf32>
    %swap3A_8 = vector.shape_cast %broadcast_in_dim3A_5 : vector<16xf32> to vector<16xf32>
    tpu.vector_store %arg6[%swap3A], %swap3A_8 {strides = array<i32>} : memref<128xf32, #tpu.memory_space<vmem>>, vector<16xf32>,
    %broadcast_in_dim3A_9 = arith.constant 1.000000e+00 : f32
    %broadcast_in_dim3A_10 = vector.broadcast %broadcast_in_dim3A_9 : f32 to vector<16xf32>
    %swap3A_11 = arith.constant 16 : index
    %swap3A_12 = tpu.vector_load %arg6[%swap3A_11] {strides = array<i32>} : memref<128xf32, #tpu.memory_space<vmem>>, vector<16xf32>,
    %swap3A_13 = vector.shape_cast %swap3A_12 : vector<16xf32> to vector<16xf32>
    %swap3A_14 = vector.shape_cast %broadcast_in_dim3A_10 : vector<16xf32> to vector<16xf32>
    tpu.vector_store %arg6[%swap3A_11], %swap3A_14 {strides = array<i32>} : memref<128xf32, #tpu.memory_space<vmem>>, vector<16xf32>,
    %broadcast_in_dim3A_15 = arith.constant 1.000000e+00 : f32
    %broadcast_in_dim3A_16 = vector.broadcast %broadcast_in_dim3A_15 : f32 to vector<16xf32>
    %swap3A_17 = arith.constant 32 : index
    %swap3A_18 = tpu.vector_load %arg6[%swap3A_17] {strides = array<i32>} : memref<128xf32, #tpu.memory_space<vmem>>, vector<16xf32>,
    %swap3A_19 = vector.shape_cast %swap3A_18 : vector<16xf32> to vector<16xf32>
    %swap3A_20 = vector.shape_cast %broadcast_in_dim3A_16 : vector<16xf32> to vector<16xf32>
    tpu.vector_store %arg6[%swap3A_17], %swap3A_20 {strides = array<i32>} : memref<128xf32, #tpu.memory_space<vmem>>, vector<16xf32>,
    %broadcast_in_dim3A_21 = arith.constant 1.000000e+00 : f32
    %broadcast_in_dim3A_22 = vector.broadcast %broadcast_in_dim3A_21 : f32 to vector<16xf32>
    %swap3A_23 = arith.constant 48 : index
    %swap3A_24 = tpu.vector_load %arg6[%swap3A_23] {strides = array<i32>} : memref<128xf32, #tpu.memory_space<vmem>>, vector<16xf32>,
    %swap3A_25 = vector.shape_cast %swap3A_24 : vector<16xf32> to vector<16xf32>
    %swap3A_26 = vector.shape_cast %broadcast_in_dim3A_22 : vector<16xf32> to vector<16xf32>
    tpu.vector_store %arg6[%swap3A_23], %swap3A_26 {strides = array<i32>} : memref<128xf32, #tpu.memory_space<vmem>>, vector<16xf32>,
    %broadcast_in_dim3A_27 = arith.constant 1.000000e+00 : f32
    %broadcast_in_dim3A_28 = vector.broadcast %broadcast_in_dim3A_27 : f32 to vector<16xf32>
    %swap3A_29 = arith.constant 64 : index
    %swap3A_30 = tpu.vector_load %arg6[%swap3A_29] {strides = array<i32>} : memref<128xf32, #tpu.memory_space<vmem>>, vector<16xf32>,
    %swap3A_31 = vector.shape_cast %swap3A_30 : vector<16xf32> to vector<16xf32>
    %swap3A_32 = vector.shape_cast %broadcast_in_dim3A_28 : vector<16xf32> to vector<16xf32>
    tpu.vector_store %arg6[%swap3A_29], %swap3A_32 {strides = array<i32>} : memref<128xf32, #tpu.memory_space<vmem>>, vector<16xf32>,
    %broadcast_in_dim3A_33 = arith.constant 1.000000e+00 : f32
    %broadcast_in_dim3A_34 = vector.broadcast %broadcast_in_dim3A_33 : f32 to vector<16xf32>
    %swap3A_35 = arith.constant 80 : index
    %swap3A_36 = tpu.vector_load %arg6[%swap3A_35] {strides = array<i32>} : memref<128xf32, #tpu.memory_space<vmem>>, vector<16xf32>,
    %swap3A_37 = vector.shape_cast %swap3A_36 : vector<16xf32> to vector<16xf32>
    %swap3A_38 = vector.shape_cast %broadcast_in_dim3A_34 : vector<16xf32> to vector<16xf32>
    tpu.vector_store %arg6[%swap3A_35], %swap3A_38 {strides = array<i32>} : memref<128xf32, #tpu.memory_space<vmem>>, vector<16xf32>,
    %broadcast_in_dim3A_39 = arith.constant 1.000000e+00 : f32
    %broadcast_in_dim3A_40 = vector.broadcast %broadcast_in_dim3A_39 : f32 to vector<16xf32>
    %swap3A_41 = arith.constant 96 : index
    %swap3A_42 = tpu.vector_load %arg6[%swap3A_41] {strides = array<i32>} : memref<128xf32, #tpu.memory_space<vmem>>, vector<16xf32>,
    %swap3A_43 = vector.shape_cast %swap3A_42 : vector<16xf32> to vector<16xf32>
    %swap3A_44 = vector.shape_cast %broadcast_in_dim3A_40 : vector<16xf32> to vector<16xf32>
    tpu.vector_store %arg6[%swap3A_41], %swap3A_44 {strides = array<i32>} : memref<128xf32, #tpu.memory_space<vmem>>, vector<16xf32>,
    %broadcast_in_dim3A_45 = arith.constant 1.000000e+00 : f32
    %broadcast_in_dim3A_46 = vector.broadcast %broadcast_in_dim3A_45 : f32 to vector<16xf32>
    %swap3A_47 = arith.constant 112 : index
    %swap3A_48 = tpu.vector_load %arg6[%swap3A_47] {strides = array<i32>} : memref<128xf32, #tpu.memory_space<vmem>>, vector<16xf32>,
    %swap3A_49 = vector.shape_cast %swap3A_48 : vector<16xf32> to vector<16xf32>
    %swap3A_50 = vector.shape_cast %broadcast_in_dim3A_46 : vector<16xf32> to vector<16xf32>
    tpu.vector_store %arg6[%swap3A_47], %swap3A_50 {strides = array<i32>} : memref<128xf32, #tpu.memory_space<vmem>>, vector<16xf32>,
    "tpu.region"() ({
      %run_scoped3A = tpu.sem_alloc : memref<!tpu.dma_semaphore, #tpu.memory_space<semaphore_mem>>
      %dma_start3A = arith.constant 0 : i32
      %dma_start3A_84 = arith.constant 0 : i32
      %dma_start3A_85 = tpu.memref_slice %arg2[%add3A, %dma_start3A, %dma_start3A_84] : memref<32x80x128xi32, #tpu.memory_space<hbm>> -> memref<1x80x128xi32, #tpu.memory_space<hbm>>
      %dma_start3A_86 = tpu.memref_squeeze %dma_start3A_85 : memref<1x80x128xi32, #tpu.memory_space<hbm>> -> memref<80x128xi32, #tpu.memory_space<hbm>>
      %dma_start3A_87 = arith.constant 0 : i32
      %dma_start3A_88 = arith.constant 0 : i32
      %dma_start3A_89 = tpu.memref_slice %arg2[%add3A, %dma_start3A_87, %dma_start3A_88] : memref<32x80x128xi32, #tpu.memory_space<hbm>> -> memref<1x80x128xi32, #tpu.memory_space<hbm>>
      %dma_start3A_90 = tpu.memref_squeeze %dma_start3A_89 : memref<1x80x128xi32, #tpu.memory_space<hbm>> -> memref<80x128xi32, #tpu.memory_space<hbm>>
      tpu.enqueue_dma source(%dma_start3A_90 : memref<80x128xi32, #tpu.memory_space<hbm>>) target(%arg5 : memref<80x128xi32, #tpu.memory_space<vmem>>) target_semaphore(%run_scoped3A : memref<!tpu.dma_semaphore, #tpu.memory_space<semaphore_mem>>)
      %dma_wait3A_91 = arith.constant 0 : i32
      %dma_wait3A_92 = arith.constant 0 : i32
      %dma_wait3A_93 = tpu.memref_slice %arg2[%add3A, %dma_wait3A_91, %dma_wait3A_92] : memref<32x80x128xi32, #tpu.memory_space<hbm>> -> memref<1x80x128xi32, #tpu.memory_space<hbm>>
      %dma_wait3A_94 = tpu.memref_squeeze %dma_wait3A_93 : memref<1x80x128xi32, #tpu.memory_space<hbm>> -> memref<80x128xi32, #tpu.memory_space<hbm>>
      %dma_wait3A_95 = arith.constant 0 : i32
      %dma_wait3A_96 = arith.constant 0 : i32
      %dma_wait3A_97 = tpu.memref_slice %arg2[%add3A, %dma_wait3A_95, %dma_wait3A_96] : memref<32x80x128xi32, #tpu.memory_space<hbm>> -> memref<1x80x128xi32, #tpu.memory_space<hbm>>
      %dma_wait3A_98 = tpu.memref_squeeze %dma_wait3A_97 : memref<1x80x128xi32, #tpu.memory_space<hbm>> -> memref<80x128xi32, #tpu.memory_space<hbm>>
      tpu.wait_dma2 semaphore(%run_scoped3A : memref<!tpu.dma_semaphore, #tpu.memory_space<semaphore_mem>>) src(%dma_wait3A_98 : memref<80x128xi32, #tpu.memory_space<hbm>>) dst(%arg5 : memref<80x128xi32, #tpu.memory_space<vmem>>)
      tpu.yield
    }) : () -> ()
    %barrier3A = arith.constant 0 : index
    tpu.barrier barrier_id(%barrier3A)
    %scan3A = arith.constant 0 : i32
    %scan3A_51 = arith.constant 0 : i32
    %scan3A_52 = arith.constant 20 : i32
    %scan3A_53 = arith.addi %scan3A_51, %scan3A_52 : i32
    %scan3A_54 = arith.constant 1 : i32
    scf.for %scan3A_84 = %scan3A_51 to %scan3A_53 step %scan3A_54  : i32 {
      %mul3A_85 = arith.constant 4 : i32
      %mul3A_86 = arith.muli %scan3A_84, %mul3A_85 : i32
      %add3A_87 = arith.constant 0 : i32
      %add3A_88 = arith.addi %mul3A_86, %add3A_87 : i32
      %dma_start3A = arith.constant 0 : i32
      %dma_start3A_89 = tpu.memref_slice %arg5[%add3A_88, %dma_start3A] : memref<80x128xi32, #tpu.memory_space<vmem>> -> memref<1x128xi32, #tpu.memory_space<vmem>>
      %dma_start3A_90 = tpu.memref_squeeze %dma_start3A_89 : memref<1x128xi32, #tpu.memory_space<vmem>> -> memref<128xi32, #tpu.memory_space<vmem>>
      %dma_start3A_91 = arith.constant 0 : i32
      %dma_start3A_92 = tpu.memref_slice %arg7[%dma_start3A_91] : memref<10240xf32, #tpu.memory_space<vmem_shared>> -> memref<10240xf32, #tpu.memory_space<vmem_shared>>
      tpu.enqueue_indirect_dma source(%arg6 : memref<128xf32, #tpu.memory_space<vmem>>) target(%dma_start3A_92 : memref<10240xf32, #tpu.memory_space<vmem_shared>>) offsets(%dma_start3A_90 : memref<128xi32, #tpu.memory_space<vmem>>) semaphore(%arg8 : memref<!tpu.dma_semaphore, #tpu.memory_space<semaphore_mem>>) {add = true}
      %ge3A = arith.constant 4 : i32
      %ge3A_93 = arith.cmpi sge, %add3A_88, %ge3A : i32
      %convert_element_type3A = arith.extui %ge3A_93 : i1 to i32
      %cond3A = arith.constant 0 : i32
      %cond3A_94 = arith.cmpi ne, %convert_element_type3A, %cond3A : i32
      scf.if %cond3A_94 {
        %sub3A = arith.constant 4 : i32
        %sub3A_137 = arith.subi %add3A_88, %sub3A : i32
        %dma_wait3A_138 = arith.constant 0 : i32
        %dma_wait3A_139 = tpu.memref_slice %arg5[%sub3A_137, %dma_wait3A_138] : memref<80x128xi32, #tpu.memory_space<vmem>> -> memref<1x128xi32, #tpu.memory_space<vmem>>
        %dma_wait3A_140 = tpu.memref_squeeze %dma_wait3A_139 : memref<1x128xi32, #tpu.memory_space<vmem>> -> memref<128xi32, #tpu.memory_space<vmem>>
        %dma_wait3A_141 = arith.constant 0 : i32
        %dma_wait3A_142 = tpu.memref_slice %arg7[%dma_wait3A_141] : memref<10240xf32, #tpu.memory_space<vmem_shared>> -> memref<10240xf32, #tpu.memory_space<vmem_shared>>
        tpu.wait_indirect_dma semaphore(%arg8 : memref<!tpu.dma_semaphore, #tpu.memory_space<semaphore_mem>>) src(%arg6 : memref<128xf32, #tpu.memory_space<vmem>>) dst(%dma_wait3A_142 : memref<10240xf32, #tpu.memory_space<vmem_shared>>)
      } else {
      }
      %mul3A_95 = arith.constant 4 : i32
      %mul3A_96 = arith.muli %scan3A_84, %mul3A_95 : i32
      %add3A_97 = arith.constant 1 : i32
      %add3A_98 = arith.addi %mul3A_96, %add3A_97 : i32
      %dma_start3A_99 = arith.constant 0 : i32
      %dma_start3A_100 = tpu.memref_slice %arg5[%add3A_98, %dma_start3A_99] : memref<80x128xi32, #tpu.memory_space<vmem>> -> memref<1x128xi32, #tpu.memory_space<vmem>>
      %dma_start3A_101 = tpu.memref_squeeze %dma_start3A_100 : memref<1x128xi32, #tpu.memory_space<vmem>> -> memref<128xi32, #tpu.memory_space<vmem>>
      %dma_start3A_102 = arith.constant 0 : i32
      %dma_start3A_103 = tpu.memref_slice %arg7[%dma_start3A_102] : memref<10240xf32, #tpu.memory_space<vmem_shared>> -> memref<10240xf32, #tpu.memory_space<vmem_shared>>
      tpu.enqueue_indirect_dma source(%arg6 : memref<128xf32, #tpu.memory_space<vmem>>) target(%dma_start3A_103 : memref<10240xf32, #tpu.memory_space<vmem_shared>>) offsets(%dma_start3A_101 : memref<128xi32, #tpu.memory_space<vmem>>) semaphore(%arg9 : memref<!tpu.dma_semaphore, #tpu.memory_space<semaphore_mem>>) {add = true}
      %ge3A_104 = arith.constant 4 : i32
      %ge3A_105 = arith.cmpi sge, %add3A_98, %ge3A_104 : i32
      %convert_element_type3A_106 = arith.extui %ge3A_105 : i1 to i32
      %cond3A_107 = arith.constant 0 : i32
      %cond3A_108 = arith.cmpi ne, %convert_element_type3A_106, %cond3A_107 : i32
      scf.if %cond3A_108 {
        %sub3A = arith.constant 4 : i32
        %sub3A_137 = arith.subi %add3A_98, %sub3A : i32
        %dma_wait3A_138 = arith.constant 0 : i32
        %dma_wait3A_139 = tpu.memref_slice %arg5[%sub3A_137, %dma_wait3A_138] : memref<80x128xi32, #tpu.memory_space<vmem>> -> memref<1x128xi32, #tpu.memory_space<vmem>>
        %dma_wait3A_140 = tpu.memref_squeeze %dma_wait3A_139 : memref<1x128xi32, #tpu.memory_space<vmem>> -> memref<128xi32, #tpu.memory_space<vmem>>
        %dma_wait3A_141 = arith.constant 0 : i32
        %dma_wait3A_142 = tpu.memref_slice %arg7[%dma_wait3A_141] : memref<10240xf32, #tpu.memory_space<vmem_shared>> -> memref<10240xf32, #tpu.memory_space<vmem_shared>>
        tpu.wait_indirect_dma semaphore(%arg9 : memref<!tpu.dma_semaphore, #tpu.memory_space<semaphore_mem>>) src(%arg6 : memref<128xf32, #tpu.memory_space<vmem>>) dst(%dma_wait3A_142 : memref<10240xf32, #tpu.memory_space<vmem_shared>>)
      } else {
      }
      %mul3A_109 = arith.constant 4 : i32
      %mul3A_110 = arith.muli %scan3A_84, %mul3A_109 : i32
      %add3A_111 = arith.constant 2 : i32
      %add3A_112 = arith.addi %mul3A_110, %add3A_111 : i32
      %dma_start3A_113 = arith.constant 0 : i32
      %dma_start3A_114 = tpu.memref_slice %arg5[%add3A_112, %dma_start3A_113] : memref<80x128xi32, #tpu.memory_space<vmem>> -> memref<1x128xi32, #tpu.memory_space<vmem>>
      %dma_start3A_115 = tpu.memref_squeeze %dma_start3A_114 : memref<1x128xi32, #tpu.memory_space<vmem>> -> memref<128xi32, #tpu.memory_space<vmem>>
      %dma_start3A_116 = arith.constant 0 : i32
      %dma_start3A_117 = tpu.memref_slice %arg7[%dma_start3A_116] : memref<10240xf32, #tpu.memory_space<vmem_shared>> -> memref<10240xf32, #tpu.memory_space<vmem_shared>>
      tpu.enqueue_indirect_dma source(%arg6 : memref<128xf32, #tpu.memory_space<vmem>>) target(%dma_start3A_117 : memref<10240xf32, #tpu.memory_space<vmem_shared>>) offsets(%dma_start3A_115 : memref<128xi32, #tpu.memory_space<vmem>>) semaphore(%arg10 : memref<!tpu.dma_semaphore, #tpu.memory_space<semaphore_mem>>) {add = true}
      %ge3A_118 = arith.constant 4 : i32
      %ge3A_119 = arith.cmpi sge, %add3A_112, %ge3A_118 : i32
      %convert_element_type3A_120 = arith.extui %ge3A_119 : i1 to i32
      %cond3A_121 = arith.constant 0 : i32
      %cond3A_122 = arith.cmpi ne, %convert_element_type3A_120, %cond3A_121 : i32
      scf.if %cond3A_122 {
        %sub3A = arith.constant 4 : i32
        %sub3A_137 = arith.subi %add3A_112, %sub3A : i32
        %dma_wait3A_138 = arith.constant 0 : i32
        %dma_wait3A_139 = tpu.memref_slice %arg5[%sub3A_137, %dma_wait3A_138] : memref<80x128xi32, #tpu.memory_space<vmem>> -> memref<1x128xi32, #tpu.memory_space<vmem>>
        %dma_wait3A_140 = tpu.memref_squeeze %dma_wait3A_139 : memref<1x128xi32, #tpu.memory_space<vmem>> -> memref<128xi32, #tpu.memory_space<vmem>>
        %dma_wait3A_141 = arith.constant 0 : i32
        %dma_wait3A_142 = tpu.memref_slice %arg7[%dma_wait3A_141] : memref<10240xf32, #tpu.memory_space<vmem_shared>> -> memref<10240xf32, #tpu.memory_space<vmem_shared>>
        tpu.wait_indirect_dma semaphore(%arg10 : memref<!tpu.dma_semaphore, #tpu.memory_space<semaphore_mem>>) src(%arg6 : memref<128xf32, #tpu.memory_space<vmem>>) dst(%dma_wait3A_142 : memref<10240xf32, #tpu.memory_space<vmem_shared>>)
      } else {
      }
      %mul3A_123 = arith.constant 4 : i32
      %mul3A_124 = arith.muli %scan3A_84, %mul3A_123 : i32
      %add3A_125 = arith.constant 3 : i32
      %add3A_126 = arith.addi %mul3A_124, %add3A_125 : i32
      %dma_start3A_127 = arith.constant 0 : i32
      %dma_start3A_128 = tpu.memref_slice %arg5[%add3A_126, %dma_start3A_127] : memref<80x128xi32, #tpu.memory_space<vmem>> -> memref<1x128xi32, #tpu.memory_space<vmem>>
      %dma_start3A_129 = tpu.memref_squeeze %dma_start3A_128 : memref<1x128xi32, #tpu.memory_space<vmem>> -> memref<128xi32, #tpu.memory_space<vmem>>
      %dma_start3A_130 = arith.constant 0 : i32
      %dma_start3A_131 = tpu.memref_slice %arg7[%dma_start3A_130] : memref<10240xf32, #tpu.memory_space<vmem_shared>> -> memref<10240xf32, #tpu.memory_space<vmem_shared>>
      tpu.enqueue_indirect_dma source(%arg6 : memref<128xf32, #tpu.memory_space<vmem>>) target(%dma_start3A_131 : memref<10240xf32, #tpu.memory_space<vmem_shared>>) offsets(%dma_start3A_129 : memref<128xi32, #tpu.memory_space<vmem>>) semaphore(%arg11 : memref<!tpu.dma_semaphore, #tpu.memory_space<semaphore_mem>>) {add = true}
      %ge3A_132 = arith.constant 4 : i32
      %ge3A_133 = arith.cmpi sge, %add3A_126, %ge3A_132 : i32
      %convert_element_type3A_134 = arith.extui %ge3A_133 : i1 to i32
      %cond3A_135 = arith.constant 0 : i32
      %cond3A_136 = arith.cmpi ne, %convert_element_type3A_134, %cond3A_135 : i32
      scf.if %cond3A_136 {
        %sub3A = arith.constant 4 : i32
        %sub3A_137 = arith.subi %add3A_126, %sub3A : i32
        %dma_wait3A_138 = arith.constant 0 : i32
        %dma_wait3A_139 = tpu.memref_slice %arg5[%sub3A_137, %dma_wait3A_138] : memref<80x128xi32, #tpu.memory_space<vmem>> -> memref<1x128xi32, #tpu.memory_space<vmem>>
        %dma_wait3A_140 = tpu.memref_squeeze %dma_wait3A_139 : memref<1x128xi32, #tpu.memory_space<vmem>> -> memref<128xi32, #tpu.memory_space<vmem>>
        %dma_wait3A_141 = arith.constant 0 : i32
        %dma_wait3A_142 = tpu.memref_slice %arg7[%dma_wait3A_141] : memref<10240xf32, #tpu.memory_space<vmem_shared>> -> memref<10240xf32, #tpu.memory_space<vmem_shared>>
        tpu.wait_indirect_dma semaphore(%arg11 : memref<!tpu.dma_semaphore, #tpu.memory_space<semaphore_mem>>) src(%arg6 : memref<128xf32, #tpu.memory_space<vmem>>) dst(%dma_wait3A_142 : memref<10240xf32, #tpu.memory_space<vmem_shared>>)
      } else {
      }
    }
    %scan3A_55 = arith.constant 20 : i32
    %dma_wait3A = arith.constant 76 : i32
    %dma_wait3A_56 = arith.constant 0 : i32
    %dma_wait3A_57 = tpu.memref_slice %arg5[%dma_wait3A, %dma_wait3A_56] : memref<80x128xi32, #tpu.memory_space<vmem>> -> memref<1x128xi32, #tpu.memory_space<vmem>>
    %dma_wait3A_58 = tpu.memref_squeeze %dma_wait3A_57 : memref<1x128xi32, #tpu.memory_space<vmem>> -> memref<128xi32, #tpu.memory_space<vmem>>
    %dma_wait3A_59 = arith.constant 0 : i32
    %dma_wait3A_60 = tpu.memref_slice %arg7[%dma_wait3A_59] : memref<10240xf32, #tpu.memory_space<vmem_shared>> -> memref<10240xf32, #tpu.memory_space<vmem_shared>>
    tpu.wait_indirect_dma semaphore(%arg8 : memref<!tpu.dma_semaphore, #tpu.memory_space<semaphore_mem>>) src(%arg6 : memref<128xf32, #tpu.memory_space<vmem>>) dst(%dma_wait3A_60 : memref<10240xf32, #tpu.memory_space<vmem_shared>>)
    %dma_wait3A_61 = arith.constant 77 : i32
    %dma_wait3A_62 = arith.constant 0 : i32
    %dma_wait3A_63 = tpu.memref_slice %arg5[%dma_wait3A_61, %dma_wait3A_62] : memref<80x128xi32, #tpu.memory_space<vmem>> -> memref<1x128xi32, #tpu.memory_space<vmem>>
    %dma_wait3A_64 = tpu.memref_squeeze %dma_wait3A_63 : memref<1x128xi32, #tpu.memory_space<vmem>> -> memref<128xi32, #tpu.memory_space<vmem>>
    %dma_wait3A_65 = arith.constant 0 : i32
    %dma_wait3A_66 = tpu.memref_slice %arg7[%dma_wait3A_65] : memref<10240xf32, #tpu.memory_space<vmem_shared>> -> memref<10240xf32, #tpu.memory_space<vmem_shared>>
    tpu.wait_indirect_dma semaphore(%arg9 : memref<!tpu.dma_semaphore, #tpu.memory_space<semaphore_mem>>) src(%arg6 : memref<128xf32, #tpu.memory_space<vmem>>) dst(%dma_wait3A_66 : memref<10240xf32, #tpu.memory_space<vmem_shared>>)
    %dma_wait3A_67 = arith.constant 78 : i32
    %dma_wait3A_68 = arith.constant 0 : i32
    %dma_wait3A_69 = tpu.memref_slice %arg5[%dma_wait3A_67, %dma_wait3A_68] : memref<80x128xi32, #tpu.memory_space<vmem>> -> memref<1x128xi32, #tpu.memory_space<vmem>>
    %dma_wait3A_70 = tpu.memref_squeeze %dma_wait3A_69 : memref<1x128xi32, #tpu.memory_space<vmem>> -> memref<128xi32, #tpu.memory_space<vmem>>
    %dma_wait3A_71 = arith.constant 0 : i32
    %dma_wait3A_72 = tpu.memref_slice %arg7[%dma_wait3A_71] : memref<10240xf32, #tpu.memory_space<vmem_shared>> -> memref<10240xf32, #tpu.memory_space<vmem_shared>>
    tpu.wait_indirect_dma semaphore(%arg10 : memref<!tpu.dma_semaphore, #tpu.memory_space<semaphore_mem>>) src(%arg6 : memref<128xf32, #tpu.memory_space<vmem>>) dst(%dma_wait3A_72 : memref<10240xf32, #tpu.memory_space<vmem_shared>>)
    %dma_wait3A_73 = arith.constant 79 : i32
    %dma_wait3A_74 = arith.constant 0 : i32
    %dma_wait3A_75 = tpu.memref_slice %arg5[%dma_wait3A_73, %dma_wait3A_74] : memref<80x128xi32, #tpu.memory_space<vmem>> -> memref<1x128xi32, #tpu.memory_space<vmem>>
    %dma_wait3A_76 = tpu.memref_squeeze %dma_wait3A_75 : memref<1x128xi32, #tpu.memory_space<vmem>> -> memref<128xi32, #tpu.memory_space<vmem>>
    %dma_wait3A_77 = arith.constant 0 : i32
    %dma_wait3A_78 = tpu.memref_slice %arg7[%dma_wait3A_77] : memref<10240xf32, #tpu.memory_space<vmem_shared>> -> memref<10240xf32, #tpu.memory_space<vmem_shared>>
    tpu.wait_indirect_dma semaphore(%arg11 : memref<!tpu.dma_semaphore, #tpu.memory_space<semaphore_mem>>) src(%arg6 : memref<128xf32, #tpu.memory_space<vmem>>) dst(%dma_wait3A_78 : memref<10240xf32, #tpu.memory_space<vmem_shared>>)
    %barrier3A_79 = arith.constant 0 : index
    tpu.barrier barrier_id(%barrier3A_79)
    %mul3A_80 = arith.constant 640 : i32
    %mul3A_81 = arith.muli %arg1, %mul3A_80 : i32
    %mul3A_82 = arith.constant 640 : i32
    %mul3A_83 = arith.muli %arg1, %mul3A_82 : i32
    "tpu.region"() ({
      %run_scoped3A = tpu.sem_alloc : memref<!tpu.dma_semaphore, #tpu.memory_space<semaphore_mem>>
      %dma_start3A = tpu.memref_slice %arg4[%arg0, %mul3A_83] : memref<2x10240xf32, #tpu.memory_space<hbm>> -> memref<1x640xf32, #tpu.memory_space<hbm>>
      %dma_start3A_84 = tpu.memref_squeeze %dma_start3A : memref<1x640xf32, #tpu.memory_space<hbm>> -> memref<640xf32, #tpu.memory_space<hbm>>
      %dma_start3A_85 = tpu.memref_slice %arg7[%mul3A_81] : memref<10240xf32, #tpu.memory_space<vmem_shared>> -> memref<640xf32, #tpu.memory_space<vmem_shared>>
      tpu.enqueue_dma source(%dma_start3A_85 : memref<640xf32, #tpu.memory_space<vmem_shared>>) target(%dma_start3A_84 : memref<640xf32, #tpu.memory_space<hbm>>) target_semaphore(%run_scoped3A : memref<!tpu.dma_semaphore, #tpu.memory_space<semaphore_mem>>)
      %dma_wait3A_86 = tpu.memref_slice %arg4[%arg0, %mul3A_83] : memref<2x10240xf32, #tpu.memory_space<hbm>> -> memref<1x640xf32, #tpu.memory_space<hbm>>
      %dma_wait3A_87 = tpu.memref_squeeze %dma_wait3A_86 : memref<1x640xf32, #tpu.memory_space<hbm>> -> memref<640xf32, #tpu.memory_space<hbm>>
      %dma_wait3A_88 = tpu.memref_slice %arg7[%mul3A_81] : memref<10240xf32, #tpu.memory_space<vmem_shared>> -> memref<640xf32, #tpu.memory_space<vmem_shared>>
      tpu.wait_dma2 semaphore(%run_scoped3A : memref<!tpu.dma_semaphore, #tpu.memory_space<semaphore_mem>>) src(%dma_wait3A_88 : memref<640xf32, #tpu.memory_space<vmem_shared>>) dst(%dma_wait3A_87 : memref<640xf32, #tpu.memory_space<hbm>>)
      tpu.yield
    }) : () -> ()
    return
  }
}

#map = affine_map<(d0, d1) -> (0, 0)>
#map1 = affine_map<(d0, d1) -> (0, 0, 0)>
module attributes {stable_mosaic.version = 14 : i64} {
  func.func @_sc_agg(%arg0: i32, %arg1: i32, %arg2: memref<10240x128xf32, #tpu.memory_space<hbm>>, %arg3: memref<32x160x64xi32, #tpu.memory_space<hbm>>, %arg4: memref<32x160x64xi32, #tpu.memory_space<hbm>>, %arg5: memref<10240x128xf32, #tpu.memory_space<hbm>>, %arg6: memref<2x10240x128xf32, #tpu.memory_space<hbm>>, %arg7: memref<40x64xi32, #tpu.memory_space<vmem>>, %arg8: memref<40x64xi32, #tpu.memory_space<vmem>>, %arg9: memref<64x128xf32, #tpu.memory_space<vmem>>, %arg10: memref<64x128xf32, #tpu.memory_space<vmem>>, %arg11: memref<64x128xf32, #tpu.memory_space<vmem>>, %arg12: memref<64x128xf32, #tpu.memory_space<vmem>>, %arg13: memref<10240x128xf32, #tpu.memory_space<vmem_shared>>, %arg14: memref<!tpu.dma_semaphore, #tpu.memory_space<semaphore_mem>>, %arg15: memref<!tpu.dma_semaphore, #tpu.memory_space<semaphore_mem>>, %arg16: memref<!tpu.dma_semaphore, #tpu.memory_space<semaphore_mem>>, %arg17: memref<!tpu.dma_semaphore, #tpu.memory_space<semaphore_mem>>, %arg18: memref<!tpu.dma_semaphore, #tpu.memory_space<semaphore_mem>>, %arg19: memref<!tpu.dma_semaphore, #tpu.memory_space<semaphore_mem>>, %arg20: memref<!tpu.dma_semaphore, #tpu.memory_space<semaphore_mem>>, %arg21: memref<!tpu.dma_semaphore, #tpu.memory_space<semaphore_mem>>) attributes {dimension_semantics = [#tpu.dimension_semantics<core_parallel>, #tpu.dimension_semantics<subcore_parallel>], iteration_bounds = array<i64: 2, 16>, scalar_prefetch = 0 : i64, scratch_operands = 15 : i64, tpu.core_type = #tpu.core_type<sc_vector_subcore>, window_params = [{transform_indices = #map}, {transform_indices = #map1}, {transform_indices = #map1}, {transform_indices = #map}, {transform_indices = #map1}]} {
    %mul3A = arith.constant 16 : i32
    %mul3A_0 = arith.muli %arg0, %mul3A : i32
    %add3A = arith.addi %mul3A_0, %arg1 : i32
    %mul3A_1 = arith.constant 640 : i32
    %mul3A_2 = arith.muli %arg1, %mul3A_1 : i32
    %mul3A_3 = arith.constant 640 : i32
    %mul3A_4 = arith.muli %arg1, %mul3A_3 : i32
    "tpu.region"() ({
      %run_scoped3A = tpu.sem_alloc : memref<!tpu.dma_semaphore, #tpu.memory_space<semaphore_mem>>
      %dma_start3A = arith.constant 0 : i32
      %dma_start3A_15 = tpu.memref_slice %arg13[%mul3A_4, %dma_start3A] : memref<10240x128xf32, #tpu.memory_space<vmem_shared>> -> memref<640x128xf32, #tpu.memory_space<vmem_shared>>
      %dma_start3A_16 = arith.constant 0 : i32
      %dma_start3A_17 = tpu.memref_slice %arg5[%mul3A_2, %dma_start3A_16] : memref<10240x128xf32, #tpu.memory_space<hbm>> -> memref<640x128xf32, #tpu.memory_space<hbm>>
      tpu.enqueue_dma source(%dma_start3A_17 : memref<640x128xf32, #tpu.memory_space<hbm>>) target(%dma_start3A_15 : memref<640x128xf32, #tpu.memory_space<vmem_shared>>) target_semaphore(%run_scoped3A : memref<!tpu.dma_semaphore, #tpu.memory_space<semaphore_mem>>)
      %dma_wait3A = arith.constant 0 : i32
      %dma_wait3A_18 = tpu.memref_slice %arg13[%mul3A_4, %dma_wait3A] : memref<10240x128xf32, #tpu.memory_space<vmem_shared>> -> memref<640x128xf32, #tpu.memory_space<vmem_shared>>
      %dma_wait3A_19 = arith.constant 0 : i32
      %dma_wait3A_20 = tpu.memref_slice %arg5[%mul3A_2, %dma_wait3A_19] : memref<10240x128xf32, #tpu.memory_space<hbm>> -> memref<640x128xf32, #tpu.memory_space<hbm>>
      tpu.wait_dma2 semaphore(%run_scoped3A : memref<!tpu.dma_semaphore, #tpu.memory_space<semaphore_mem>>) src(%dma_wait3A_20 : memref<640x128xf32, #tpu.memory_space<hbm>>) dst(%dma_wait3A_18 : memref<640x128xf32, #tpu.memory_space<vmem_shared>>)
      tpu.yield
    }) : () -> ()
    %barrier3A = arith.constant 0 : index
    tpu.barrier barrier_id(%barrier3A)
    %scan3A = arith.constant 0 : i32
    %scan3A_5 = arith.constant 0 : i32
    %scan3A_6 = arith.constant 4 : i32
    %scan3A_7 = arith.addi %scan3A_5, %scan3A_6 : i32
    %scan3A_8 = arith.constant 1 : i32
    scf.for %scan3A_15 = %scan3A_5 to %scan3A_7 step %scan3A_8  : i32 {
      %mul3A_16 = arith.constant 40 : i32
      %mul3A_17 = arith.muli %scan3A_15, %mul3A_16 : i32
      "tpu.region"() ({
        %run_scoped3A = tpu.sem_alloc : memref<!tpu.dma_semaphore, #tpu.memory_space<semaphore_mem>>
        %dma_start3A_52 = arith.constant 0 : i32
        %dma_start3A_53 = tpu.memref_slice %arg3[%add3A, %mul3A_17, %dma_start3A_52] : memref<32x160x64xi32, #tpu.memory_space<hbm>> -> memref<1x40x64xi32, #tpu.memory_space<hbm>>
        %dma_start3A_54 = tpu.memref_squeeze %dma_start3A_53 : memref<1x40x64xi32, #tpu.memory_space<hbm>> -> memref<40x64xi32, #tpu.memory_space<hbm>>
        %dma_start3A_55 = arith.constant 0 : i32
        %dma_start3A_56 = tpu.memref_slice %arg3[%add3A, %mul3A_17, %dma_start3A_55] : memref<32x160x64xi32, #tpu.memory_space<hbm>> -> memref<1x40x64xi32, #tpu.memory_space<hbm>>
        %dma_start3A_57 = tpu.memref_squeeze %dma_start3A_56 : memref<1x40x64xi32, #tpu.memory_space<hbm>> -> memref<40x64xi32, #tpu.memory_space<hbm>>
        tpu.enqueue_dma source(%dma_start3A_57 : memref<40x64xi32, #tpu.memory_space<hbm>>) target(%arg7 : memref<40x64xi32, #tpu.memory_space<vmem>>) target_semaphore(%run_scoped3A : memref<!tpu.dma_semaphore, #tpu.memory_space<semaphore_mem>>)
        %dma_wait3A_58 = arith.constant 0 : i32
        %dma_wait3A_59 = tpu.memref_slice %arg3[%add3A, %mul3A_17, %dma_wait3A_58] : memref<32x160x64xi32, #tpu.memory_space<hbm>> -> memref<1x40x64xi32, #tpu.memory_space<hbm>>
        %dma_wait3A_60 = tpu.memref_squeeze %dma_wait3A_59 : memref<1x40x64xi32, #tpu.memory_space<hbm>> -> memref<40x64xi32, #tpu.memory_space<hbm>>
        %dma_wait3A_61 = arith.constant 0 : i32
        %dma_wait3A_62 = tpu.memref_slice %arg3[%add3A, %mul3A_17, %dma_wait3A_61] : memref<32x160x64xi32, #tpu.memory_space<hbm>> -> memref<1x40x64xi32, #tpu.memory_space<hbm>>
        %dma_wait3A_63 = tpu.memref_squeeze %dma_wait3A_62 : memref<1x40x64xi32, #tpu.memory_space<hbm>> -> memref<40x64xi32, #tpu.memory_space<hbm>>
        tpu.wait_dma2 semaphore(%run_scoped3A : memref<!tpu.dma_semaphore, #tpu.memory_space<semaphore_mem>>) src(%dma_wait3A_63 : memref<40x64xi32, #tpu.memory_space<hbm>>) dst(%arg7 : memref<40x64xi32, #tpu.memory_space<vmem>>)
        tpu.yield
      }) : () -> ()
      %mul3A_18 = arith.constant 40 : i32
      %mul3A_19 = arith.muli %scan3A_15, %mul3A_18 : i32
      "tpu.region"() ({
        %run_scoped3A = tpu.sem_alloc : memref<!tpu.dma_semaphore, #tpu.memory_space<semaphore_mem>>
        %dma_start3A_52 = arith.constant 0 : i32
        %dma_start3A_53 = tpu.memref_slice %arg4[%add3A, %mul3A_19, %dma_start3A_52] : memref<32x160x64xi32, #tpu.memory_space<hbm>> -> memref<1x40x64xi32, #tpu.memory_space<hbm>>
        %dma_start3A_54 = tpu.memref_squeeze %dma_start3A_53 : memref<1x40x64xi32, #tpu.memory_space<hbm>> -> memref<40x64xi32, #tpu.memory_space<hbm>>
        %dma_start3A_55 = arith.constant 0 : i32
        %dma_start3A_56 = tpu.memref_slice %arg4[%add3A, %mul3A_19, %dma_start3A_55] : memref<32x160x64xi32, #tpu.memory_space<hbm>> -> memref<1x40x64xi32, #tpu.memory_space<hbm>>
        %dma_start3A_57 = tpu.memref_squeeze %dma_start3A_56 : memref<1x40x64xi32, #tpu.memory_space<hbm>> -> memref<40x64xi32, #tpu.memory_space<hbm>>
        tpu.enqueue_dma source(%dma_start3A_57 : memref<40x64xi32, #tpu.memory_space<hbm>>) target(%arg8 : memref<40x64xi32, #tpu.memory_space<vmem>>) target_semaphore(%run_scoped3A : memref<!tpu.dma_semaphore, #tpu.memory_space<semaphore_mem>>)
        %dma_wait3A_58 = arith.constant 0 : i32
        %dma_wait3A_59 = tpu.memref_slice %arg4[%add3A, %mul3A_19, %dma_wait3A_58] : memref<32x160x64xi32, #tpu.memory_space<hbm>> -> memref<1x40x64xi32, #tpu.memory_space<hbm>>
        %dma_wait3A_60 = tpu.memref_squeeze %dma_wait3A_59 : memref<1x40x64xi32, #tpu.memory_space<hbm>> -> memref<40x64xi32, #tpu.memory_space<hbm>>
        %dma_wait3A_61 = arith.constant 0 : i32
        %dma_wait3A_62 = tpu.memref_slice %arg4[%add3A, %mul3A_19, %dma_wait3A_61] : memref<32x160x64xi32, #tpu.memory_space<hbm>> -> memref<1x40x64xi32, #tpu.memory_space<hbm>>
        %dma_wait3A_63 = tpu.memref_squeeze %dma_wait3A_62 : memref<1x40x64xi32, #tpu.memory_space<hbm>> -> memref<40x64xi32, #tpu.memory_space<hbm>>
        tpu.wait_dma2 semaphore(%run_scoped3A : memref<!tpu.dma_semaphore, #tpu.memory_space<semaphore_mem>>) src(%dma_wait3A_63 : memref<40x64xi32, #tpu.memory_space<hbm>>) dst(%arg8 : memref<40x64xi32, #tpu.memory_space<vmem>>)
        tpu.yield
      }) : () -> ()
      %dma_start3A = arith.constant 0 : i32
      %dma_start3A_20 = arith.constant 0 : i32
      %dma_start3A_21 = tpu.memref_slice %arg7[%dma_start3A, %dma_start3A_20] : memref<40x64xi32, #tpu.memory_space<vmem>> -> memref<1x64xi32, #tpu.memory_space<vmem>>
      %dma_start3A_22 = tpu.memref_squeeze %dma_start3A_21 : memref<1x64xi32, #tpu.memory_space<vmem>> -> memref<64xi32, #tpu.memory_space<vmem>>
      %dma_start3A_23 = arith.constant 0 : i32
      %dma_start3A_24 = arith.constant 0 : i32
      %dma_start3A_25 = tpu.memref_slice %arg2[%dma_start3A_23, %dma_start3A_24] : memref<10240x128xf32, #tpu.memory_space<hbm>> -> memref<10240x128xf32, #tpu.memory_space<hbm>>
      tpu.enqueue_indirect_dma source(%dma_start3A_25 : memref<10240x128xf32, #tpu.memory_space<hbm>>) target(%arg9 : memref<64x128xf32, #tpu.memory_space<vmem>>) offsets(%dma_start3A_22 : memref<64xi32, #tpu.memory_space<vmem>>) semaphore(%arg14 : memref<!tpu.dma_semaphore, #tpu.memory_space<semaphore_mem>>)
      %dma_start3A_26 = arith.constant 1 : i32
      %dma_start3A_27 = arith.constant 0 : i32
      %dma_start3A_28 = tpu.memref_slice %arg7[%dma_start3A_26, %dma_start3A_27] : memref<40x64xi32, #tpu.memory_space<vmem>> -> memref<1x64xi32, #tpu.memory_space<vmem>>
      %dma_start3A_29 = tpu.memref_squeeze %dma_start3A_28 : memref<1x64xi32, #tpu.memory_space<vmem>> -> memref<64xi32, #tpu.memory_space<vmem>>
      %dma_start3A_30 = arith.constant 0 : i32
      %dma_start3A_31 = arith.constant 0 : i32
      %dma_start3A_32 = tpu.memref_slice %arg2[%dma_start3A_30, %dma_start3A_31] : memref<10240x128xf32, #tpu.memory_space<hbm>> -> memref<10240x128xf32, #tpu.memory_space<hbm>>
      tpu.enqueue_indirect_dma source(%dma_start3A_32 : memref<10240x128xf32, #tpu.memory_space<hbm>>) target(%arg10 : memref<64x128xf32, #tpu.memory_space<vmem>>) offsets(%dma_start3A_29 : memref<64xi32, #tpu.memory_space<vmem>>) semaphore(%arg15 : memref<!tpu.dma_semaphore, #tpu.memory_space<semaphore_mem>>)
      %scan3A_33 = arith.constant 0 : i32
      %scan3A_34 = arith.constant 0 : i32
      %scan3A_35 = arith.constant 10 : i32
      %scan3A_36 = arith.addi %scan3A_34, %scan3A_35 : i32
      %scan3A_37 = arith.constant 1 : i32
      scf.for %scan3A_52 = %scan3A_34 to %scan3A_36 step %scan3A_37  : i32 {
        %mul3A_53 = arith.constant 4 : i32
        %mul3A_54 = arith.muli %scan3A_52, %mul3A_53 : i32
        %add3A_55 = arith.constant 0 : i32
        %add3A_56 = arith.addi %mul3A_54, %add3A_55 : i32
        %dma_wait3A_57 = arith.constant 0 : i32
        %dma_wait3A_58 = tpu.memref_slice %arg7[%add3A_56, %dma_wait3A_57] : memref<40x64xi32, #tpu.memory_space<vmem>> -> memref<1x64xi32, #tpu.memory_space<vmem>>
        %dma_wait3A_59 = tpu.memref_squeeze %dma_wait3A_58 : memref<1x64xi32, #tpu.memory_space<vmem>> -> memref<64xi32, #tpu.memory_space<vmem>>
        %dma_wait3A_60 = arith.constant 0 : i32
        %dma_wait3A_61 = arith.constant 0 : i32
        %dma_wait3A_62 = tpu.memref_slice %arg2[%dma_wait3A_60, %dma_wait3A_61] : memref<10240x128xf32, #tpu.memory_space<hbm>> -> memref<10240x128xf32, #tpu.memory_space<hbm>>
        tpu.wait_indirect_dma semaphore(%arg14 : memref<!tpu.dma_semaphore, #tpu.memory_space<semaphore_mem>>) src(%dma_wait3A_62 : memref<10240x128xf32, #tpu.memory_space<hbm>>) dst(%arg9 : memref<64x128xf32, #tpu.memory_space<vmem>>)
        %dma_start3A_63 = arith.constant 0 : i32
        %dma_start3A_64 = tpu.memref_slice %arg8[%add3A_56, %dma_start3A_63] : memref<40x64xi32, #tpu.memory_space<vmem>> -> memref<1x64xi32, #tpu.memory_space<vmem>>
        %dma_start3A_65 = tpu.memref_squeeze %dma_start3A_64 : memref<1x64xi32, #tpu.memory_space<vmem>> -> memref<64xi32, #tpu.memory_space<vmem>>
        %dma_start3A_66 = arith.constant 0 : i32
        %dma_start3A_67 = arith.constant 0 : i32
        %dma_start3A_68 = tpu.memref_slice %arg13[%dma_start3A_66, %dma_start3A_67] : memref<10240x128xf32, #tpu.memory_space<vmem_shared>> -> memref<10240x128xf32, #tpu.memory_space<vmem_shared>>
        tpu.enqueue_indirect_dma source(%arg9 : memref<64x128xf32, #tpu.memory_space<vmem>>) target(%dma_start3A_68 : memref<10240x128xf32, #tpu.memory_space<vmem_shared>>) offsets(%dma_start3A_65 : memref<64xi32, #tpu.memory_space<vmem>>) semaphore(%arg18 : memref<!tpu.dma_semaphore, #tpu.memory_space<semaphore_mem>>) {add = true}
        %ge3A = arith.constant 2 : i32
        %ge3A_69 = arith.cmpi sge, %add3A_56, %ge3A : i32
        %convert_element_type3A = arith.extui %ge3A_69 : i1 to i32
        %cond3A = arith.constant 0 : i32
        %cond3A_70 = arith.cmpi ne, %convert_element_type3A, %cond3A : i32
        scf.if %cond3A_70 {
          %sub3A = arith.constant 2 : i32
          %sub3A_155 = arith.subi %add3A_56, %sub3A : i32
          %dma_wait3A_156 = arith.constant 0 : i32
          %dma_wait3A_157 = tpu.memref_slice %arg8[%sub3A_155, %dma_wait3A_156] : memref<40x64xi32, #tpu.memory_space<vmem>> -> memref<1x64xi32, #tpu.memory_space<vmem>>
          %dma_wait3A_158 = tpu.memref_squeeze %dma_wait3A_157 : memref<1x64xi32, #tpu.memory_space<vmem>> -> memref<64xi32, #tpu.memory_space<vmem>>
          %dma_wait3A_159 = arith.constant 0 : i32
          %dma_wait3A_160 = arith.constant 0 : i32
          %dma_wait3A_161 = tpu.memref_slice %arg13[%dma_wait3A_159, %dma_wait3A_160] : memref<10240x128xf32, #tpu.memory_space<vmem_shared>> -> memref<10240x128xf32, #tpu.memory_space<vmem_shared>>
          tpu.wait_indirect_dma semaphore(%arg20 : memref<!tpu.dma_semaphore, #tpu.memory_space<semaphore_mem>>) src(%arg11 : memref<64x128xf32, #tpu.memory_space<vmem>>) dst(%dma_wait3A_161 : memref<10240x128xf32, #tpu.memory_space<vmem_shared>>)
        } else {
        }
        %add3A_71 = arith.constant 2 : i32
        %add3A_72 = arith.addi %add3A_56, %add3A_71 : i32
        %lt3A = arith.constant 40 : i32
        %lt3A_73 = arith.cmpi slt, %add3A_72, %lt3A : i32
        %convert_element_type3A_74 = arith.extui %lt3A_73 : i1 to i32
        %cond3A_75 = arith.constant 0 : i32
        %cond3A_76 = arith.cmpi ne, %convert_element_type3A_74, %cond3A_75 : i32
        scf.if %cond3A_76 {
          %add3A_155 = arith.constant 2 : i32
          %add3A_156 = arith.addi %add3A_56, %add3A_155 : i32
          %dma_start3A_157 = arith.constant 0 : i32
          %dma_start3A_158 = tpu.memref_slice %arg7[%add3A_156, %dma_start3A_157] : memref<40x64xi32, #tpu.memory_space<vmem>> -> memref<1x64xi32, #tpu.memory_space<vmem>>
          %dma_start3A_159 = tpu.memref_squeeze %dma_start3A_158 : memref<1x64xi32, #tpu.memory_space<vmem>> -> memref<64xi32, #tpu.memory_space<vmem>>
          %dma_start3A_160 = arith.constant 0 : i32
          %dma_start3A_161 = arith.constant 0 : i32
          %dma_start3A_162 = tpu.memref_slice %arg2[%dma_start3A_160, %dma_start3A_161] : memref<10240x128xf32, #tpu.memory_space<hbm>> -> memref<10240x128xf32, #tpu.memory_space<hbm>>
          tpu.enqueue_indirect_dma source(%dma_start3A_162 : memref<10240x128xf32, #tpu.memory_space<hbm>>) target(%arg11 : memref<64x128xf32, #tpu.memory_space<vmem>>) offsets(%dma_start3A_159 : memref<64xi32, #tpu.memory_space<vmem>>) semaphore(%arg16 : memref<!tpu.dma_semaphore, #tpu.memory_space<semaphore_mem>>)
        } else {
        }
        %add3A_77 = arith.constant 1 : i32
        %add3A_78 = arith.addi %mul3A_54, %add3A_77 : i32
        %dma_wait3A_79 = arith.constant 0 : i32
        %dma_wait3A_80 = tpu.memref_slice %arg7[%add3A_78, %dma_wait3A_79] : memref<40x64xi32, #tpu.memory_space<vmem>> -> memref<1x64xi32, #tpu.memory_space<vmem>>
        %dma_wait3A_81 = tpu.memref_squeeze %dma_wait3A_80 : memref<1x64xi32, #tpu.memory_space<vmem>> -> memref<64xi32, #tpu.memory_space<vmem>>
        %dma_wait3A_82 = arith.constant 0 : i32
        %dma_wait3A_83 = arith.constant 0 : i32
        %dma_wait3A_84 = tpu.memref_slice %arg2[%dma_wait3A_82, %dma_wait3A_83] : memref<10240x128xf32, #tpu.memory_space<hbm>> -> memref<10240x128xf32, #tpu.memory_space<hbm>>
        tpu.wait_indirect_dma semaphore(%arg15 : memref<!tpu.dma_semaphore, #tpu.memory_space<semaphore_mem>>) src(%dma_wait3A_84 : memref<10240x128xf32, #tpu.memory_space<hbm>>) dst(%arg10 : memref<64x128xf32, #tpu.memory_space<vmem>>)
        %dma_start3A_85 = arith.constant 0 : i32
        %dma_start3A_86 = tpu.memref_slice %arg8[%add3A_78, %dma_start3A_85] : memref<40x64xi32, #tpu.memory_space<vmem>> -> memref<1x64xi32, #tpu.memory_space<vmem>>
        %dma_start3A_87 = tpu.memref_squeeze %dma_start3A_86 : memref<1x64xi32, #tpu.memory_space<vmem>> -> memref<64xi32, #tpu.memory_space<vmem>>
        %dma_start3A_88 = arith.constant 0 : i32
        %dma_start3A_89 = arith.constant 0 : i32
        %dma_start3A_90 = tpu.memref_slice %arg13[%dma_start3A_88, %dma_start3A_89] : memref<10240x128xf32, #tpu.memory_space<vmem_shared>> -> memref<10240x128xf32, #tpu.memory_space<vmem_shared>>
        tpu.enqueue_indirect_dma source(%arg10 : memref<64x128xf32, #tpu.memory_space<vmem>>) target(%dma_start3A_90 : memref<10240x128xf32, #tpu.memory_space<vmem_shared>>) offsets(%dma_start3A_87 : memref<64xi32, #tpu.memory_space<vmem>>) semaphore(%arg19 : memref<!tpu.dma_semaphore, #tpu.memory_space<semaphore_mem>>) {add = true}
        %ge3A_91 = arith.constant 2 : i32
        %ge3A_92 = arith.cmpi sge, %add3A_78, %ge3A_91 : i32
        %convert_element_type3A_93 = arith.extui %ge3A_92 : i1 to i32
        %cond3A_94 = arith.constant 0 : i32
        %cond3A_95 = arith.cmpi ne, %convert_element_type3A_93, %cond3A_94 : i32
        scf.if %cond3A_95 {
          %sub3A = arith.constant 2 : i32
          %sub3A_155 = arith.subi %add3A_78, %sub3A : i32
          %dma_wait3A_156 = arith.constant 0 : i32
          %dma_wait3A_157 = tpu.memref_slice %arg8[%sub3A_155, %dma_wait3A_156] : memref<40x64xi32, #tpu.memory_space<vmem>> -> memref<1x64xi32, #tpu.memory_space<vmem>>
          %dma_wait3A_158 = tpu.memref_squeeze %dma_wait3A_157 : memref<1x64xi32, #tpu.memory_space<vmem>> -> memref<64xi32, #tpu.memory_space<vmem>>
          %dma_wait3A_159 = arith.constant 0 : i32
          %dma_wait3A_160 = arith.constant 0 : i32
          %dma_wait3A_161 = tpu.memref_slice %arg13[%dma_wait3A_159, %dma_wait3A_160] : memref<10240x128xf32, #tpu.memory_space<vmem_shared>> -> memref<10240x128xf32, #tpu.memory_space<vmem_shared>>
          tpu.wait_indirect_dma semaphore(%arg21 : memref<!tpu.dma_semaphore, #tpu.memory_space<semaphore_mem>>) src(%arg12 : memref<64x128xf32, #tpu.memory_space<vmem>>) dst(%dma_wait3A_161 : memref<10240x128xf32, #tpu.memory_space<vmem_shared>>)
        } else {
        }
        %add3A_96 = arith.constant 2 : i32
        %add3A_97 = arith.addi %add3A_78, %add3A_96 : i32
        %lt3A_98 = arith.constant 40 : i32
        %lt3A_99 = arith.cmpi slt, %add3A_97, %lt3A_98 : i32
        %convert_element_type3A_100 = arith.extui %lt3A_99 : i1 to i32
        %cond3A_101 = arith.constant 0 : i32
        %cond3A_102 = arith.cmpi ne, %convert_element_type3A_100, %cond3A_101 : i32
        scf.if %cond3A_102 {
          %add3A_155 = arith.constant 2 : i32
          %add3A_156 = arith.addi %add3A_78, %add3A_155 : i32
          %dma_start3A_157 = arith.constant 0 : i32
          %dma_start3A_158 = tpu.memref_slice %arg7[%add3A_156, %dma_start3A_157] : memref<40x64xi32, #tpu.memory_space<vmem>> -> memref<1x64xi32, #tpu.memory_space<vmem>>
          %dma_start3A_159 = tpu.memref_squeeze %dma_start3A_158 : memref<1x64xi32, #tpu.memory_space<vmem>> -> memref<64xi32, #tpu.memory_space<vmem>>
          %dma_start3A_160 = arith.constant 0 : i32
          %dma_start3A_161 = arith.constant 0 : i32
          %dma_start3A_162 = tpu.memref_slice %arg2[%dma_start3A_160, %dma_start3A_161] : memref<10240x128xf32, #tpu.memory_space<hbm>> -> memref<10240x128xf32, #tpu.memory_space<hbm>>
          tpu.enqueue_indirect_dma source(%dma_start3A_162 : memref<10240x128xf32, #tpu.memory_space<hbm>>) target(%arg12 : memref<64x128xf32, #tpu.memory_space<vmem>>) offsets(%dma_start3A_159 : memref<64xi32, #tpu.memory_space<vmem>>) semaphore(%arg17 : memref<!tpu.dma_semaphore, #tpu.memory_space<semaphore_mem>>)
        } else {
        }
        %add3A_103 = arith.constant 2 : i32
        %add3A_104 = arith.addi %mul3A_54, %add3A_103 : i32
        %dma_wait3A_105 = arith.constant 0 : i32
        %dma_wait3A_106 = tpu.memref_slice %arg7[%add3A_104, %dma_wait3A_105] : memref<40x64xi32, #tpu.memory_space<vmem>> -> memref<1x64xi32, #tpu.memory_space<vmem>>
        %dma_wait3A_107 = tpu.memref_squeeze %dma_wait3A_106 : memref<1x64xi32, #tpu.memory_space<vmem>> -> memref<64xi32, #tpu.memory_space<vmem>>
        %dma_wait3A_108 = arith.constant 0 : i32
        %dma_wait3A_109 = arith.constant 0 : i32
        %dma_wait3A_110 = tpu.memref_slice %arg2[%dma_wait3A_108, %dma_wait3A_109] : memref<10240x128xf32, #tpu.memory_space<hbm>> -> memref<10240x128xf32, #tpu.memory_space<hbm>>
        tpu.wait_indirect_dma semaphore(%arg16 : memref<!tpu.dma_semaphore, #tpu.memory_space<semaphore_mem>>) src(%dma_wait3A_110 : memref<10240x128xf32, #tpu.memory_space<hbm>>) dst(%arg11 : memref<64x128xf32, #tpu.memory_space<vmem>>)
        %dma_start3A_111 = arith.constant 0 : i32
        %dma_start3A_112 = tpu.memref_slice %arg8[%add3A_104, %dma_start3A_111] : memref<40x64xi32, #tpu.memory_space<vmem>> -> memref<1x64xi32, #tpu.memory_space<vmem>>
        %dma_start3A_113 = tpu.memref_squeeze %dma_start3A_112 : memref<1x64xi32, #tpu.memory_space<vmem>> -> memref<64xi32, #tpu.memory_space<vmem>>
        %dma_start3A_114 = arith.constant 0 : i32
        %dma_start3A_115 = arith.constant 0 : i32
        %dma_start3A_116 = tpu.memref_slice %arg13[%dma_start3A_114, %dma_start3A_115] : memref<10240x128xf32, #tpu.memory_space<vmem_shared>> -> memref<10240x128xf32, #tpu.memory_space<vmem_shared>>
        tpu.enqueue_indirect_dma source(%arg11 : memref<64x128xf32, #tpu.memory_space<vmem>>) target(%dma_start3A_116 : memref<10240x128xf32, #tpu.memory_space<vmem_shared>>) offsets(%dma_start3A_113 : memref<64xi32, #tpu.memory_space<vmem>>) semaphore(%arg20 : memref<!tpu.dma_semaphore, #tpu.memory_space<semaphore_mem>>) {add = true}
        %ge3A_117 = arith.constant 2 : i32
        %ge3A_118 = arith.cmpi sge, %add3A_104, %ge3A_117 : i32
        %convert_element_type3A_119 = arith.extui %ge3A_118 : i1 to i32
        %cond3A_120 = arith.constant 0 : i32
        %cond3A_121 = arith.cmpi ne, %convert_element_type3A_119, %cond3A_120 : i32
        scf.if %cond3A_121 {
          %sub3A = arith.constant 2 : i32
          %sub3A_155 = arith.subi %add3A_104, %sub3A : i32
          %dma_wait3A_156 = arith.constant 0 : i32
          %dma_wait3A_157 = tpu.memref_slice %arg8[%sub3A_155, %dma_wait3A_156] : memref<40x64xi32, #tpu.memory_space<vmem>> -> memref<1x64xi32, #tpu.memory_space<vmem>>
          %dma_wait3A_158 = tpu.memref_squeeze %dma_wait3A_157 : memref<1x64xi32, #tpu.memory_space<vmem>> -> memref<64xi32, #tpu.memory_space<vmem>>
          %dma_wait3A_159 = arith.constant 0 : i32
          %dma_wait3A_160 = arith.constant 0 : i32
          %dma_wait3A_161 = tpu.memref_slice %arg13[%dma_wait3A_159, %dma_wait3A_160] : memref<10240x128xf32, #tpu.memory_space<vmem_shared>> -> memref<10240x128xf32, #tpu.memory_space<vmem_shared>>
          tpu.wait_indirect_dma semaphore(%arg18 : memref<!tpu.dma_semaphore, #tpu.memory_space<semaphore_mem>>) src(%arg9 : memref<64x128xf32, #tpu.memory_space<vmem>>) dst(%dma_wait3A_161 : memref<10240x128xf32, #tpu.memory_space<vmem_shared>>)
        } else {
        }
        %add3A_122 = arith.constant 2 : i32
        %add3A_123 = arith.addi %add3A_104, %add3A_122 : i32
        %lt3A_124 = arith.constant 40 : i32
        %lt3A_125 = arith.cmpi slt, %add3A_123, %lt3A_124 : i32
        %convert_element_type3A_126 = arith.extui %lt3A_125 : i1 to i32
        %cond3A_127 = arith.constant 0 : i32
        %cond3A_128 = arith.cmpi ne, %convert_element_type3A_126, %cond3A_127 : i32
        scf.if %cond3A_128 {
          %add3A_155 = arith.constant 2 : i32
          %add3A_156 = arith.addi %add3A_104, %add3A_155 : i32
          %dma_start3A_157 = arith.constant 0 : i32
          %dma_start3A_158 = tpu.memref_slice %arg7[%add3A_156, %dma_start3A_157] : memref<40x64xi32, #tpu.memory_space<vmem>> -> memref<1x64xi32, #tpu.memory_space<vmem>>
          %dma_start3A_159 = tpu.memref_squeeze %dma_start3A_158 : memref<1x64xi32, #tpu.memory_space<vmem>> -> memref<64xi32, #tpu.memory_space<vmem>>
          %dma_start3A_160 = arith.constant 0 : i32
          %dma_start3A_161 = arith.constant 0 : i32
          %dma_start3A_162 = tpu.memref_slice %arg2[%dma_start3A_160, %dma_start3A_161] : memref<10240x128xf32, #tpu.memory_space<hbm>> -> memref<10240x128xf32, #tpu.memory_space<hbm>>
          tpu.enqueue_indirect_dma source(%dma_start3A_162 : memref<10240x128xf32, #tpu.memory_space<hbm>>) target(%arg9 : memref<64x128xf32, #tpu.memory_space<vmem>>) offsets(%dma_start3A_159 : memref<64xi32, #tpu.memory_space<vmem>>) semaphore(%arg14 : memref<!tpu.dma_semaphore, #tpu.memory_space<semaphore_mem>>)
        } else {
        }
        %add3A_129 = arith.constant 3 : i32
        %add3A_130 = arith.addi %mul3A_54, %add3A_129 : i32
        %dma_wait3A_131 = arith.constant 0 : i32
        %dma_wait3A_132 = tpu.memref_slice %arg7[%add3A_130, %dma_wait3A_131] : memref<40x64xi32, #tpu.memory_space<vmem>> -> memref<1x64xi32, #tpu.memory_space<vmem>>
        %dma_wait3A_133 = tpu.memref_squeeze %dma_wait3A_132 : memref<1x64xi32, #tpu.memory_space<vmem>> -> memref<64xi32, #tpu.memory_space<vmem>>
        %dma_wait3A_134 = arith.constant 0 : i32
        %dma_wait3A_135 = arith.constant 0 : i32
        %dma_wait3A_136 = tpu.memref_slice %arg2[%dma_wait3A_134, %dma_wait3A_135] : memref<10240x128xf32, #tpu.memory_space<hbm>> -> memref<10240x128xf32, #tpu.memory_space<hbm>>
        tpu.wait_indirect_dma semaphore(%arg17 : memref<!tpu.dma_semaphore, #tpu.memory_space<semaphore_mem>>) src(%dma_wait3A_136 : memref<10240x128xf32, #tpu.memory_space<hbm>>) dst(%arg12 : memref<64x128xf32, #tpu.memory_space<vmem>>)
        %dma_start3A_137 = arith.constant 0 : i32
        %dma_start3A_138 = tpu.memref_slice %arg8[%add3A_130, %dma_start3A_137] : memref<40x64xi32, #tpu.memory_space<vmem>> -> memref<1x64xi32, #tpu.memory_space<vmem>>
        %dma_start3A_139 = tpu.memref_squeeze %dma_start3A_138 : memref<1x64xi32, #tpu.memory_space<vmem>> -> memref<64xi32, #tpu.memory_space<vmem>>
        %dma_start3A_140 = arith.constant 0 : i32
        %dma_start3A_141 = arith.constant 0 : i32
        %dma_start3A_142 = tpu.memref_slice %arg13[%dma_start3A_140, %dma_start3A_141] : memref<10240x128xf32, #tpu.memory_space<vmem_shared>> -> memref<10240x128xf32, #tpu.memory_space<vmem_shared>>
        tpu.enqueue_indirect_dma source(%arg12 : memref<64x128xf32, #tpu.memory_space<vmem>>) target(%dma_start3A_142 : memref<10240x128xf32, #tpu.memory_space<vmem_shared>>) offsets(%dma_start3A_139 : memref<64xi32, #tpu.memory_space<vmem>>) semaphore(%arg21 : memref<!tpu.dma_semaphore, #tpu.memory_space<semaphore_mem>>) {add = true}
        %ge3A_143 = arith.constant 2 : i32
        %ge3A_144 = arith.cmpi sge, %add3A_130, %ge3A_143 : i32
        %convert_element_type3A_145 = arith.extui %ge3A_144 : i1 to i32
        %cond3A_146 = arith.constant 0 : i32
        %cond3A_147 = arith.cmpi ne, %convert_element_type3A_145, %cond3A_146 : i32
        scf.if %cond3A_147 {
          %sub3A = arith.constant 2 : i32
          %sub3A_155 = arith.subi %add3A_130, %sub3A : i32
          %dma_wait3A_156 = arith.constant 0 : i32
          %dma_wait3A_157 = tpu.memref_slice %arg8[%sub3A_155, %dma_wait3A_156] : memref<40x64xi32, #tpu.memory_space<vmem>> -> memref<1x64xi32, #tpu.memory_space<vmem>>
          %dma_wait3A_158 = tpu.memref_squeeze %dma_wait3A_157 : memref<1x64xi32, #tpu.memory_space<vmem>> -> memref<64xi32, #tpu.memory_space<vmem>>
          %dma_wait3A_159 = arith.constant 0 : i32
          %dma_wait3A_160 = arith.constant 0 : i32
          %dma_wait3A_161 = tpu.memref_slice %arg13[%dma_wait3A_159, %dma_wait3A_160] : memref<10240x128xf32, #tpu.memory_space<vmem_shared>> -> memref<10240x128xf32, #tpu.memory_space<vmem_shared>>
          tpu.wait_indirect_dma semaphore(%arg19 : memref<!tpu.dma_semaphore, #tpu.memory_space<semaphore_mem>>) src(%arg10 : memref<64x128xf32, #tpu.memory_space<vmem>>) dst(%dma_wait3A_161 : memref<10240x128xf32, #tpu.memory_space<vmem_shared>>)
        } else {
        }
        %add3A_148 = arith.constant 2 : i32
        %add3A_149 = arith.addi %add3A_130, %add3A_148 : i32
        %lt3A_150 = arith.constant 40 : i32
        %lt3A_151 = arith.cmpi slt, %add3A_149, %lt3A_150 : i32
        %convert_element_type3A_152 = arith.extui %lt3A_151 : i1 to i32
        %cond3A_153 = arith.constant 0 : i32
        %cond3A_154 = arith.cmpi ne, %convert_element_type3A_152, %cond3A_153 : i32
        scf.if %cond3A_154 {
          %add3A_155 = arith.constant 2 : i32
          %add3A_156 = arith.addi %add3A_130, %add3A_155 : i32
          %dma_start3A_157 = arith.constant 0 : i32
          %dma_start3A_158 = tpu.memref_slice %arg7[%add3A_156, %dma_start3A_157] : memref<40x64xi32, #tpu.memory_space<vmem>> -> memref<1x64xi32, #tpu.memory_space<vmem>>
          %dma_start3A_159 = tpu.memref_squeeze %dma_start3A_158 : memref<1x64xi32, #tpu.memory_space<vmem>> -> memref<64xi32, #tpu.memory_space<vmem>>
          %dma_start3A_160 = arith.constant 0 : i32
          %dma_start3A_161 = arith.constant 0 : i32
          %dma_start3A_162 = tpu.memref_slice %arg2[%dma_start3A_160, %dma_start3A_161] : memref<10240x128xf32, #tpu.memory_space<hbm>> -> memref<10240x128xf32, #tpu.memory_space<hbm>>
          tpu.enqueue_indirect_dma source(%dma_start3A_162 : memref<10240x128xf32, #tpu.memory_space<hbm>>) target(%arg10 : memref<64x128xf32, #tpu.memory_space<vmem>>) offsets(%dma_start3A_159 : memref<64xi32, #tpu.memory_space<vmem>>) semaphore(%arg15 : memref<!tpu.dma_semaphore, #tpu.memory_space<semaphore_mem>>)
        } else {
        }
      }
      %scan3A_38 = arith.constant 10 : i32
      %dma_wait3A = arith.constant 38 : i32
      %dma_wait3A_39 = arith.constant 0 : i32
      %dma_wait3A_40 = tpu.memref_slice %arg8[%dma_wait3A, %dma_wait3A_39] : memref<40x64xi32, #tpu.memory_space<vmem>> -> memref<1x64xi32, #tpu.memory_space<vmem>>
      %dma_wait3A_41 = tpu.memref_squeeze %dma_wait3A_40 : memref<1x64xi32, #tpu.memory_space<vmem>> -> memref<64xi32, #tpu.memory_space<vmem>>
      %dma_wait3A_42 = arith.constant 0 : i32
      %dma_wait3A_43 = arith.constant 0 : i32
      %dma_wait3A_44 = tpu.memref_slice %arg13[%dma_wait3A_42, %dma_wait3A_43] : memref<10240x128xf32, #tpu.memory_space<vmem_shared>> -> memref<10240x128xf32, #tpu.memory_space<vmem_shared>>
      tpu.wait_indirect_dma semaphore(%arg20 : memref<!tpu.dma_semaphore, #tpu.memory_space<semaphore_mem>>) src(%arg11 : memref<64x128xf32, #tpu.memory_space<vmem>>) dst(%dma_wait3A_44 : memref<10240x128xf32, #tpu.memory_space<vmem_shared>>)
      %dma_wait3A_45 = arith.constant 39 : i32
      %dma_wait3A_46 = arith.constant 0 : i32
      %dma_wait3A_47 = tpu.memref_slice %arg8[%dma_wait3A_45, %dma_wait3A_46] : memref<40x64xi32, #tpu.memory_space<vmem>> -> memref<1x64xi32, #tpu.memory_space<vmem>>
      %dma_wait3A_48 = tpu.memref_squeeze %dma_wait3A_47 : memref<1x64xi32, #tpu.memory_space<vmem>> -> memref<64xi32, #tpu.memory_space<vmem>>
      %dma_wait3A_49 = arith.constant 0 : i32
      %dma_wait3A_50 = arith.constant 0 : i32
      %dma_wait3A_51 = tpu.memref_slice %arg13[%dma_wait3A_49, %dma_wait3A_50] : memref<10240x128xf32, #tpu.memory_space<vmem_shared>> -> memref<10240x128xf32, #tpu.memory_space<vmem_shared>>
      tpu.wait_indirect_dma semaphore(%arg21 : memref<!tpu.dma_semaphore, #tpu.memory_space<semaphore_mem>>) src(%arg12 : memref<64x128xf32, #tpu.memory_space<vmem>>) dst(%dma_wait3A_51 : memref<10240x128xf32, #tpu.memory_space<vmem_shared>>)
    }
    %scan3A_9 = arith.constant 4 : i32
    %barrier3A_10 = arith.constant 0 : index
    tpu.barrier barrier_id(%barrier3A_10)
    %mul3A_11 = arith.constant 640 : i32
    %mul3A_12 = arith.muli %arg1, %mul3A_11 : i32
    %mul3A_13 = arith.constant 640 : i32
    %mul3A_14 = arith.muli %arg1, %mul3A_13 : i32
    "tpu.region"() ({
      %run_scoped3A = tpu.sem_alloc : memref<!tpu.dma_semaphore, #tpu.memory_space<semaphore_mem>>
      %dma_start3A = arith.constant 0 : i32
      %dma_start3A_15 = tpu.memref_slice %arg6[%arg0, %mul3A_14, %dma_start3A] : memref<2x10240x128xf32, #tpu.memory_space<hbm>> -> memref<1x640x128xf32, #tpu.memory_space<hbm>>
      %dma_start3A_16 = tpu.memref_squeeze %dma_start3A_15 : memref<1x640x128xf32, #tpu.memory_space<hbm>> -> memref<640x128xf32, #tpu.memory_space<hbm>>
      %dma_start3A_17 = arith.constant 0 : i32
      %dma_start3A_18 = tpu.memref_slice %arg13[%mul3A_12, %dma_start3A_17] : memref<10240x128xf32, #tpu.memory_space<vmem_shared>> -> memref<640x128xf32, #tpu.memory_space<vmem_shared>>
      tpu.enqueue_dma source(%dma_start3A_18 : memref<640x128xf32, #tpu.memory_space<vmem_shared>>) target(%dma_start3A_16 : memref<640x128xf32, #tpu.memory_space<hbm>>) target_semaphore(%run_scoped3A : memref<!tpu.dma_semaphore, #tpu.memory_space<semaphore_mem>>)
      %dma_wait3A = arith.constant 0 : i32
      %dma_wait3A_19 = tpu.memref_slice %arg6[%arg0, %mul3A_14, %dma_wait3A] : memref<2x10240x128xf32, #tpu.memory_space<hbm>> -> memref<1x640x128xf32, #tpu.memory_space<hbm>>
      %dma_wait3A_20 = tpu.memref_squeeze %dma_wait3A_19 : memref<1x640x128xf32, #tpu.memory_space<hbm>> -> memref<640x128xf32, #tpu.memory_space<hbm>>
      %dma_wait3A_21 = arith.constant 0 : i32
      %dma_wait3A_22 = tpu.memref_slice %arg13[%mul3A_12, %dma_wait3A_21] : memref<10240x128xf32, #tpu.memory_space<vmem_shared>> -> memref<640x128xf32, #tpu.memory_space<vmem_shared>>
      tpu.wait_dma2 semaphore(%run_scoped3A : memref<!tpu.dma_semaphore, #tpu.memory_space<semaphore_mem>>) src(%dma_wait3A_22 : memref<640x128xf32, #tpu.memory_space<vmem_shared>>) dst(%dma_wait3A_20 : memref<640x128xf32, #tpu.memory_space<hbm>>)
      tpu.yield
    }) : () -> ()
    return
  }
}

#map = affine_map<(d0, d1) -> (0, 0)>
#map1 = affine_map<(d0, d1) -> (0, 0, 0)>
module attributes {stable_mosaic.version = 14 : i64} {
  func.func @_sc_agg(%arg0: i32, %arg1: i32, %arg2: memref<10240x128xf32, #tpu.memory_space<hbm>>, %arg3: memref<32x160x64xi32, #tpu.memory_space<hbm>>, %arg4: memref<32x160x64xi32, #tpu.memory_space<hbm>>, %arg5: memref<10240x128xf32, #tpu.memory_space<hbm>>, %arg6: memref<2x10240x128xf32, #tpu.memory_space<hbm>>, %arg7: memref<40x64xi32, #tpu.memory_space<vmem>>, %arg8: memref<40x64xi32, #tpu.memory_space<vmem>>, %arg9: memref<64x128xf32, #tpu.memory_space<vmem>>, %arg10: memref<64x128xf32, #tpu.memory_space<vmem>>, %arg11: memref<64x128xf32, #tpu.memory_space<vmem>>, %arg12: memref<64x128xf32, #tpu.memory_space<vmem>>, %arg13: memref<10240x128xf32, #tpu.memory_space<vmem_shared>>, %arg14: memref<!tpu.dma_semaphore, #tpu.memory_space<semaphore_mem>>, %arg15: memref<!tpu.dma_semaphore, #tpu.memory_space<semaphore_mem>>, %arg16: memref<!tpu.dma_semaphore, #tpu.memory_space<semaphore_mem>>, %arg17: memref<!tpu.dma_semaphore, #tpu.memory_space<semaphore_mem>>, %arg18: memref<!tpu.dma_semaphore, #tpu.memory_space<semaphore_mem>>, %arg19: memref<!tpu.dma_semaphore, #tpu.memory_space<semaphore_mem>>, %arg20: memref<!tpu.dma_semaphore, #tpu.memory_space<semaphore_mem>>, %arg21: memref<!tpu.dma_semaphore, #tpu.memory_space<semaphore_mem>>) attributes {dimension_semantics = [#tpu.dimension_semantics<core_parallel>, #tpu.dimension_semantics<subcore_parallel>], iteration_bounds = array<i64: 2, 16>, scalar_prefetch = 0 : i64, scratch_operands = 15 : i64, tpu.core_type = #tpu.core_type<sc_vector_subcore>, window_params = [{transform_indices = #map}, {transform_indices = #map1}, {transform_indices = #map1}, {transform_indices = #map}, {transform_indices = #map1}]} {
    %mul3A = arith.constant 16 : i32
    %mul3A_0 = arith.muli %arg0, %mul3A : i32
    %add3A = arith.addi %mul3A_0, %arg1 : i32
    %mul3A_1 = arith.constant 640 : i32
    %mul3A_2 = arith.muli %arg1, %mul3A_1 : i32
    %mul3A_3 = arith.constant 640 : i32
    %mul3A_4 = arith.muli %arg1, %mul3A_3 : i32
    "tpu.region"() ({
      %run_scoped3A = tpu.sem_alloc : memref<!tpu.dma_semaphore, #tpu.memory_space<semaphore_mem>>
      %dma_start3A = arith.constant 0 : i32
      %dma_start3A_15 = tpu.memref_slice %arg13[%mul3A_4, %dma_start3A] : memref<10240x128xf32, #tpu.memory_space<vmem_shared>> -> memref<640x128xf32, #tpu.memory_space<vmem_shared>>
      %dma_start3A_16 = arith.constant 0 : i32
      %dma_start3A_17 = tpu.memref_slice %arg5[%mul3A_2, %dma_start3A_16] : memref<10240x128xf32, #tpu.memory_space<hbm>> -> memref<640x128xf32, #tpu.memory_space<hbm>>
      tpu.enqueue_dma source(%dma_start3A_17 : memref<640x128xf32, #tpu.memory_space<hbm>>) target(%dma_start3A_15 : memref<640x128xf32, #tpu.memory_space<vmem_shared>>) target_semaphore(%run_scoped3A : memref<!tpu.dma_semaphore, #tpu.memory_space<semaphore_mem>>)
      %dma_wait3A = arith.constant 0 : i32
      %dma_wait3A_18 = tpu.memref_slice %arg13[%mul3A_4, %dma_wait3A] : memref<10240x128xf32, #tpu.memory_space<vmem_shared>> -> memref<640x128xf32, #tpu.memory_space<vmem_shared>>
      %dma_wait3A_19 = arith.constant 0 : i32
      %dma_wait3A_20 = tpu.memref_slice %arg5[%mul3A_2, %dma_wait3A_19] : memref<10240x128xf32, #tpu.memory_space<hbm>> -> memref<640x128xf32, #tpu.memory_space<hbm>>
      tpu.wait_dma2 semaphore(%run_scoped3A : memref<!tpu.dma_semaphore, #tpu.memory_space<semaphore_mem>>) src(%dma_wait3A_20 : memref<640x128xf32, #tpu.memory_space<hbm>>) dst(%dma_wait3A_18 : memref<640x128xf32, #tpu.memory_space<vmem_shared>>)
      tpu.yield
    }) : () -> ()
    %barrier3A = arith.constant 0 : index
    tpu.barrier barrier_id(%barrier3A)
    %scan3A = arith.constant 0 : i32
    %scan3A_5 = arith.constant 0 : i32
    %scan3A_6 = arith.constant 4 : i32
    %scan3A_7 = arith.addi %scan3A_5, %scan3A_6 : i32
    %scan3A_8 = arith.constant 1 : i32
    scf.for %scan3A_15 = %scan3A_5 to %scan3A_7 step %scan3A_8  : i32 {
      %mul3A_16 = arith.constant 40 : i32
      %mul3A_17 = arith.muli %scan3A_15, %mul3A_16 : i32
      "tpu.region"() ({
        %run_scoped3A = tpu.sem_alloc : memref<!tpu.dma_semaphore, #tpu.memory_space<semaphore_mem>>
        %dma_start3A_52 = arith.constant 0 : i32
        %dma_start3A_53 = tpu.memref_slice %arg3[%add3A, %mul3A_17, %dma_start3A_52] : memref<32x160x64xi32, #tpu.memory_space<hbm>> -> memref<1x40x64xi32, #tpu.memory_space<hbm>>
        %dma_start3A_54 = tpu.memref_squeeze %dma_start3A_53 : memref<1x40x64xi32, #tpu.memory_space<hbm>> -> memref<40x64xi32, #tpu.memory_space<hbm>>
        %dma_start3A_55 = arith.constant 0 : i32
        %dma_start3A_56 = tpu.memref_slice %arg3[%add3A, %mul3A_17, %dma_start3A_55] : memref<32x160x64xi32, #tpu.memory_space<hbm>> -> memref<1x40x64xi32, #tpu.memory_space<hbm>>
        %dma_start3A_57 = tpu.memref_squeeze %dma_start3A_56 : memref<1x40x64xi32, #tpu.memory_space<hbm>> -> memref<40x64xi32, #tpu.memory_space<hbm>>
        tpu.enqueue_dma source(%dma_start3A_57 : memref<40x64xi32, #tpu.memory_space<hbm>>) target(%arg7 : memref<40x64xi32, #tpu.memory_space<vmem>>) target_semaphore(%run_scoped3A : memref<!tpu.dma_semaphore, #tpu.memory_space<semaphore_mem>>)
        %dma_wait3A_58 = arith.constant 0 : i32
        %dma_wait3A_59 = tpu.memref_slice %arg3[%add3A, %mul3A_17, %dma_wait3A_58] : memref<32x160x64xi32, #tpu.memory_space<hbm>> -> memref<1x40x64xi32, #tpu.memory_space<hbm>>
        %dma_wait3A_60 = tpu.memref_squeeze %dma_wait3A_59 : memref<1x40x64xi32, #tpu.memory_space<hbm>> -> memref<40x64xi32, #tpu.memory_space<hbm>>
        %dma_wait3A_61 = arith.constant 0 : i32
        %dma_wait3A_62 = tpu.memref_slice %arg3[%add3A, %mul3A_17, %dma_wait3A_61] : memref<32x160x64xi32, #tpu.memory_space<hbm>> -> memref<1x40x64xi32, #tpu.memory_space<hbm>>
        %dma_wait3A_63 = tpu.memref_squeeze %dma_wait3A_62 : memref<1x40x64xi32, #tpu.memory_space<hbm>> -> memref<40x64xi32, #tpu.memory_space<hbm>>
        tpu.wait_dma2 semaphore(%run_scoped3A : memref<!tpu.dma_semaphore, #tpu.memory_space<semaphore_mem>>) src(%dma_wait3A_63 : memref<40x64xi32, #tpu.memory_space<hbm>>) dst(%arg7 : memref<40x64xi32, #tpu.memory_space<vmem>>)
        tpu.yield
      }) : () -> ()
      %mul3A_18 = arith.constant 40 : i32
      %mul3A_19 = arith.muli %scan3A_15, %mul3A_18 : i32
      "tpu.region"() ({
        %run_scoped3A = tpu.sem_alloc : memref<!tpu.dma_semaphore, #tpu.memory_space<semaphore_mem>>
        %dma_start3A_52 = arith.constant 0 : i32
        %dma_start3A_53 = tpu.memref_slice %arg4[%add3A, %mul3A_19, %dma_start3A_52] : memref<32x160x64xi32, #tpu.memory_space<hbm>> -> memref<1x40x64xi32, #tpu.memory_space<hbm>>
        %dma_start3A_54 = tpu.memref_squeeze %dma_start3A_53 : memref<1x40x64xi32, #tpu.memory_space<hbm>> -> memref<40x64xi32, #tpu.memory_space<hbm>>
        %dma_start3A_55 = arith.constant 0 : i32
        %dma_start3A_56 = tpu.memref_slice %arg4[%add3A, %mul3A_19, %dma_start3A_55] : memref<32x160x64xi32, #tpu.memory_space<hbm>> -> memref<1x40x64xi32, #tpu.memory_space<hbm>>
        %dma_start3A_57 = tpu.memref_squeeze %dma_start3A_56 : memref<1x40x64xi32, #tpu.memory_space<hbm>> -> memref<40x64xi32, #tpu.memory_space<hbm>>
        tpu.enqueue_dma source(%dma_start3A_57 : memref<40x64xi32, #tpu.memory_space<hbm>>) target(%arg8 : memref<40x64xi32, #tpu.memory_space<vmem>>) target_semaphore(%run_scoped3A : memref<!tpu.dma_semaphore, #tpu.memory_space<semaphore_mem>>)
        %dma_wait3A_58 = arith.constant 0 : i32
        %dma_wait3A_59 = tpu.memref_slice %arg4[%add3A, %mul3A_19, %dma_wait3A_58] : memref<32x160x64xi32, #tpu.memory_space<hbm>> -> memref<1x40x64xi32, #tpu.memory_space<hbm>>
        %dma_wait3A_60 = tpu.memref_squeeze %dma_wait3A_59 : memref<1x40x64xi32, #tpu.memory_space<hbm>> -> memref<40x64xi32, #tpu.memory_space<hbm>>
        %dma_wait3A_61 = arith.constant 0 : i32
        %dma_wait3A_62 = tpu.memref_slice %arg4[%add3A, %mul3A_19, %dma_wait3A_61] : memref<32x160x64xi32, #tpu.memory_space<hbm>> -> memref<1x40x64xi32, #tpu.memory_space<hbm>>
        %dma_wait3A_63 = tpu.memref_squeeze %dma_wait3A_62 : memref<1x40x64xi32, #tpu.memory_space<hbm>> -> memref<40x64xi32, #tpu.memory_space<hbm>>
        tpu.wait_dma2 semaphore(%run_scoped3A : memref<!tpu.dma_semaphore, #tpu.memory_space<semaphore_mem>>) src(%dma_wait3A_63 : memref<40x64xi32, #tpu.memory_space<hbm>>) dst(%arg8 : memref<40x64xi32, #tpu.memory_space<vmem>>)
        tpu.yield
      }) : () -> ()
      %dma_start3A = arith.constant 0 : i32
      %dma_start3A_20 = arith.constant 0 : i32
      %dma_start3A_21 = tpu.memref_slice %arg7[%dma_start3A, %dma_start3A_20] : memref<40x64xi32, #tpu.memory_space<vmem>> -> memref<1x64xi32, #tpu.memory_space<vmem>>
      %dma_start3A_22 = tpu.memref_squeeze %dma_start3A_21 : memref<1x64xi32, #tpu.memory_space<vmem>> -> memref<64xi32, #tpu.memory_space<vmem>>
      %dma_start3A_23 = arith.constant 0 : i32
      %dma_start3A_24 = arith.constant 0 : i32
      %dma_start3A_25 = tpu.memref_slice %arg2[%dma_start3A_23, %dma_start3A_24] : memref<10240x128xf32, #tpu.memory_space<hbm>> -> memref<10240x128xf32, #tpu.memory_space<hbm>>
      tpu.enqueue_indirect_dma source(%dma_start3A_25 : memref<10240x128xf32, #tpu.memory_space<hbm>>) target(%arg9 : memref<64x128xf32, #tpu.memory_space<vmem>>) offsets(%dma_start3A_22 : memref<64xi32, #tpu.memory_space<vmem>>) semaphore(%arg14 : memref<!tpu.dma_semaphore, #tpu.memory_space<semaphore_mem>>)
      %dma_start3A_26 = arith.constant 1 : i32
      %dma_start3A_27 = arith.constant 0 : i32
      %dma_start3A_28 = tpu.memref_slice %arg7[%dma_start3A_26, %dma_start3A_27] : memref<40x64xi32, #tpu.memory_space<vmem>> -> memref<1x64xi32, #tpu.memory_space<vmem>>
      %dma_start3A_29 = tpu.memref_squeeze %dma_start3A_28 : memref<1x64xi32, #tpu.memory_space<vmem>> -> memref<64xi32, #tpu.memory_space<vmem>>
      %dma_start3A_30 = arith.constant 0 : i32
      %dma_start3A_31 = arith.constant 0 : i32
      %dma_start3A_32 = tpu.memref_slice %arg2[%dma_start3A_30, %dma_start3A_31] : memref<10240x128xf32, #tpu.memory_space<hbm>> -> memref<10240x128xf32, #tpu.memory_space<hbm>>
      tpu.enqueue_indirect_dma source(%dma_start3A_32 : memref<10240x128xf32, #tpu.memory_space<hbm>>) target(%arg10 : memref<64x128xf32, #tpu.memory_space<vmem>>) offsets(%dma_start3A_29 : memref<64xi32, #tpu.memory_space<vmem>>) semaphore(%arg15 : memref<!tpu.dma_semaphore, #tpu.memory_space<semaphore_mem>>)
      %scan3A_33 = arith.constant 0 : i32
      %scan3A_34 = arith.constant 0 : i32
      %scan3A_35 = arith.constant 10 : i32
      %scan3A_36 = arith.addi %scan3A_34, %scan3A_35 : i32
      %scan3A_37 = arith.constant 1 : i32
      scf.for %scan3A_52 = %scan3A_34 to %scan3A_36 step %scan3A_37  : i32 {
        %mul3A_53 = arith.constant 4 : i32
        %mul3A_54 = arith.muli %scan3A_52, %mul3A_53 : i32
        %add3A_55 = arith.constant 0 : i32
        %add3A_56 = arith.addi %mul3A_54, %add3A_55 : i32
        %dma_wait3A_57 = arith.constant 0 : i32
        %dma_wait3A_58 = tpu.memref_slice %arg7[%add3A_56, %dma_wait3A_57] : memref<40x64xi32, #tpu.memory_space<vmem>> -> memref<1x64xi32, #tpu.memory_space<vmem>>
        %dma_wait3A_59 = tpu.memref_squeeze %dma_wait3A_58 : memref<1x64xi32, #tpu.memory_space<vmem>> -> memref<64xi32, #tpu.memory_space<vmem>>
        %dma_wait3A_60 = arith.constant 0 : i32
        %dma_wait3A_61 = arith.constant 0 : i32
        %dma_wait3A_62 = tpu.memref_slice %arg2[%dma_wait3A_60, %dma_wait3A_61] : memref<10240x128xf32, #tpu.memory_space<hbm>> -> memref<10240x128xf32, #tpu.memory_space<hbm>>
        tpu.wait_indirect_dma semaphore(%arg14 : memref<!tpu.dma_semaphore, #tpu.memory_space<semaphore_mem>>) src(%dma_wait3A_62 : memref<10240x128xf32, #tpu.memory_space<hbm>>) dst(%arg9 : memref<64x128xf32, #tpu.memory_space<vmem>>)
        %dma_start3A_63 = arith.constant 0 : i32
        %dma_start3A_64 = tpu.memref_slice %arg8[%add3A_56, %dma_start3A_63] : memref<40x64xi32, #tpu.memory_space<vmem>> -> memref<1x64xi32, #tpu.memory_space<vmem>>
        %dma_start3A_65 = tpu.memref_squeeze %dma_start3A_64 : memref<1x64xi32, #tpu.memory_space<vmem>> -> memref<64xi32, #tpu.memory_space<vmem>>
        %dma_start3A_66 = arith.constant 0 : i32
        %dma_start3A_67 = arith.constant 0 : i32
        %dma_start3A_68 = tpu.memref_slice %arg13[%dma_start3A_66, %dma_start3A_67] : memref<10240x128xf32, #tpu.memory_space<vmem_shared>> -> memref<10240x128xf32, #tpu.memory_space<vmem_shared>>
        tpu.enqueue_indirect_dma source(%arg9 : memref<64x128xf32, #tpu.memory_space<vmem>>) target(%dma_start3A_68 : memref<10240x128xf32, #tpu.memory_space<vmem_shared>>) offsets(%dma_start3A_65 : memref<64xi32, #tpu.memory_space<vmem>>) semaphore(%arg18 : memref<!tpu.dma_semaphore, #tpu.memory_space<semaphore_mem>>) {add = true}
        %ge3A = arith.constant 2 : i32
        %ge3A_69 = arith.cmpi sge, %add3A_56, %ge3A : i32
        %convert_element_type3A = arith.extui %ge3A_69 : i1 to i32
        %cond3A = arith.constant 0 : i32
        %cond3A_70 = arith.cmpi ne, %convert_element_type3A, %cond3A : i32
        scf.if %cond3A_70 {
          %sub3A = arith.constant 2 : i32
          %sub3A_155 = arith.subi %add3A_56, %sub3A : i32
          %dma_wait3A_156 = arith.constant 0 : i32
          %dma_wait3A_157 = tpu.memref_slice %arg8[%sub3A_155, %dma_wait3A_156] : memref<40x64xi32, #tpu.memory_space<vmem>> -> memref<1x64xi32, #tpu.memory_space<vmem>>
          %dma_wait3A_158 = tpu.memref_squeeze %dma_wait3A_157 : memref<1x64xi32, #tpu.memory_space<vmem>> -> memref<64xi32, #tpu.memory_space<vmem>>
          %dma_wait3A_159 = arith.constant 0 : i32
          %dma_wait3A_160 = arith.constant 0 : i32
          %dma_wait3A_161 = tpu.memref_slice %arg13[%dma_wait3A_159, %dma_wait3A_160] : memref<10240x128xf32, #tpu.memory_space<vmem_shared>> -> memref<10240x128xf32, #tpu.memory_space<vmem_shared>>
          tpu.wait_indirect_dma semaphore(%arg20 : memref<!tpu.dma_semaphore, #tpu.memory_space<semaphore_mem>>) src(%arg11 : memref<64x128xf32, #tpu.memory_space<vmem>>) dst(%dma_wait3A_161 : memref<10240x128xf32, #tpu.memory_space<vmem_shared>>)
        } else {
        }
        %add3A_71 = arith.constant 2 : i32
        %add3A_72 = arith.addi %add3A_56, %add3A_71 : i32
        %lt3A = arith.constant 40 : i32
        %lt3A_73 = arith.cmpi slt, %add3A_72, %lt3A : i32
        %convert_element_type3A_74 = arith.extui %lt3A_73 : i1 to i32
        %cond3A_75 = arith.constant 0 : i32
        %cond3A_76 = arith.cmpi ne, %convert_element_type3A_74, %cond3A_75 : i32
        scf.if %cond3A_76 {
          %add3A_155 = arith.constant 2 : i32
          %add3A_156 = arith.addi %add3A_56, %add3A_155 : i32
          %dma_start3A_157 = arith.constant 0 : i32
          %dma_start3A_158 = tpu.memref_slice %arg7[%add3A_156, %dma_start3A_157] : memref<40x64xi32, #tpu.memory_space<vmem>> -> memref<1x64xi32, #tpu.memory_space<vmem>>
          %dma_start3A_159 = tpu.memref_squeeze %dma_start3A_158 : memref<1x64xi32, #tpu.memory_space<vmem>> -> memref<64xi32, #tpu.memory_space<vmem>>
          %dma_start3A_160 = arith.constant 0 : i32
          %dma_start3A_161 = arith.constant 0 : i32
          %dma_start3A_162 = tpu.memref_slice %arg2[%dma_start3A_160, %dma_start3A_161] : memref<10240x128xf32, #tpu.memory_space<hbm>> -> memref<10240x128xf32, #tpu.memory_space<hbm>>
          tpu.enqueue_indirect_dma source(%dma_start3A_162 : memref<10240x128xf32, #tpu.memory_space<hbm>>) target(%arg11 : memref<64x128xf32, #tpu.memory_space<vmem>>) offsets(%dma_start3A_159 : memref<64xi32, #tpu.memory_space<vmem>>) semaphore(%arg16 : memref<!tpu.dma_semaphore, #tpu.memory_space<semaphore_mem>>)
        } else {
        }
        %add3A_77 = arith.constant 1 : i32
        %add3A_78 = arith.addi %mul3A_54, %add3A_77 : i32
        %dma_wait3A_79 = arith.constant 0 : i32
        %dma_wait3A_80 = tpu.memref_slice %arg7[%add3A_78, %dma_wait3A_79] : memref<40x64xi32, #tpu.memory_space<vmem>> -> memref<1x64xi32, #tpu.memory_space<vmem>>
        %dma_wait3A_81 = tpu.memref_squeeze %dma_wait3A_80 : memref<1x64xi32, #tpu.memory_space<vmem>> -> memref<64xi32, #tpu.memory_space<vmem>>
        %dma_wait3A_82 = arith.constant 0 : i32
        %dma_wait3A_83 = arith.constant 0 : i32
        %dma_wait3A_84 = tpu.memref_slice %arg2[%dma_wait3A_82, %dma_wait3A_83] : memref<10240x128xf32, #tpu.memory_space<hbm>> -> memref<10240x128xf32, #tpu.memory_space<hbm>>
        tpu.wait_indirect_dma semaphore(%arg15 : memref<!tpu.dma_semaphore, #tpu.memory_space<semaphore_mem>>) src(%dma_wait3A_84 : memref<10240x128xf32, #tpu.memory_space<hbm>>) dst(%arg10 : memref<64x128xf32, #tpu.memory_space<vmem>>)
        %dma_start3A_85 = arith.constant 0 : i32
        %dma_start3A_86 = tpu.memref_slice %arg8[%add3A_78, %dma_start3A_85] : memref<40x64xi32, #tpu.memory_space<vmem>> -> memref<1x64xi32, #tpu.memory_space<vmem>>
        %dma_start3A_87 = tpu.memref_squeeze %dma_start3A_86 : memref<1x64xi32, #tpu.memory_space<vmem>> -> memref<64xi32, #tpu.memory_space<vmem>>
        %dma_start3A_88 = arith.constant 0 : i32
        %dma_start3A_89 = arith.constant 0 : i32
        %dma_start3A_90 = tpu.memref_slice %arg13[%dma_start3A_88, %dma_start3A_89] : memref<10240x128xf32, #tpu.memory_space<vmem_shared>> -> memref<10240x128xf32, #tpu.memory_space<vmem_shared>>
        tpu.enqueue_indirect_dma source(%arg10 : memref<64x128xf32, #tpu.memory_space<vmem>>) target(%dma_start3A_90 : memref<10240x128xf32, #tpu.memory_space<vmem_shared>>) offsets(%dma_start3A_87 : memref<64xi32, #tpu.memory_space<vmem>>) semaphore(%arg19 : memref<!tpu.dma_semaphore, #tpu.memory_space<semaphore_mem>>) {add = true}
        %ge3A_91 = arith.constant 2 : i32
        %ge3A_92 = arith.cmpi sge, %add3A_78, %ge3A_91 : i32
        %convert_element_type3A_93 = arith.extui %ge3A_92 : i1 to i32
        %cond3A_94 = arith.constant 0 : i32
        %cond3A_95 = arith.cmpi ne, %convert_element_type3A_93, %cond3A_94 : i32
        scf.if %cond3A_95 {
          %sub3A = arith.constant 2 : i32
          %sub3A_155 = arith.subi %add3A_78, %sub3A : i32
          %dma_wait3A_156 = arith.constant 0 : i32
          %dma_wait3A_157 = tpu.memref_slice %arg8[%sub3A_155, %dma_wait3A_156] : memref<40x64xi32, #tpu.memory_space<vmem>> -> memref<1x64xi32, #tpu.memory_space<vmem>>
          %dma_wait3A_158 = tpu.memref_squeeze %dma_wait3A_157 : memref<1x64xi32, #tpu.memory_space<vmem>> -> memref<64xi32, #tpu.memory_space<vmem>>
          %dma_wait3A_159 = arith.constant 0 : i32
          %dma_wait3A_160 = arith.constant 0 : i32
          %dma_wait3A_161 = tpu.memref_slice %arg13[%dma_wait3A_159, %dma_wait3A_160] : memref<10240x128xf32, #tpu.memory_space<vmem_shared>> -> memref<10240x128xf32, #tpu.memory_space<vmem_shared>>
          tpu.wait_indirect_dma semaphore(%arg21 : memref<!tpu.dma_semaphore, #tpu.memory_space<semaphore_mem>>) src(%arg12 : memref<64x128xf32, #tpu.memory_space<vmem>>) dst(%dma_wait3A_161 : memref<10240x128xf32, #tpu.memory_space<vmem_shared>>)
        } else {
        }
        %add3A_96 = arith.constant 2 : i32
        %add3A_97 = arith.addi %add3A_78, %add3A_96 : i32
        %lt3A_98 = arith.constant 40 : i32
        %lt3A_99 = arith.cmpi slt, %add3A_97, %lt3A_98 : i32
        %convert_element_type3A_100 = arith.extui %lt3A_99 : i1 to i32
        %cond3A_101 = arith.constant 0 : i32
        %cond3A_102 = arith.cmpi ne, %convert_element_type3A_100, %cond3A_101 : i32
        scf.if %cond3A_102 {
          %add3A_155 = arith.constant 2 : i32
          %add3A_156 = arith.addi %add3A_78, %add3A_155 : i32
          %dma_start3A_157 = arith.constant 0 : i32
          %dma_start3A_158 = tpu.memref_slice %arg7[%add3A_156, %dma_start3A_157] : memref<40x64xi32, #tpu.memory_space<vmem>> -> memref<1x64xi32, #tpu.memory_space<vmem>>
          %dma_start3A_159 = tpu.memref_squeeze %dma_start3A_158 : memref<1x64xi32, #tpu.memory_space<vmem>> -> memref<64xi32, #tpu.memory_space<vmem>>
          %dma_start3A_160 = arith.constant 0 : i32
          %dma_start3A_161 = arith.constant 0 : i32
          %dma_start3A_162 = tpu.memref_slice %arg2[%dma_start3A_160, %dma_start3A_161] : memref<10240x128xf32, #tpu.memory_space<hbm>> -> memref<10240x128xf32, #tpu.memory_space<hbm>>
          tpu.enqueue_indirect_dma source(%dma_start3A_162 : memref<10240x128xf32, #tpu.memory_space<hbm>>) target(%arg12 : memref<64x128xf32, #tpu.memory_space<vmem>>) offsets(%dma_start3A_159 : memref<64xi32, #tpu.memory_space<vmem>>) semaphore(%arg17 : memref<!tpu.dma_semaphore, #tpu.memory_space<semaphore_mem>>)
        } else {
        }
        %add3A_103 = arith.constant 2 : i32
        %add3A_104 = arith.addi %mul3A_54, %add3A_103 : i32
        %dma_wait3A_105 = arith.constant 0 : i32
        %dma_wait3A_106 = tpu.memref_slice %arg7[%add3A_104, %dma_wait3A_105] : memref<40x64xi32, #tpu.memory_space<vmem>> -> memref<1x64xi32, #tpu.memory_space<vmem>>
        %dma_wait3A_107 = tpu.memref_squeeze %dma_wait3A_106 : memref<1x64xi32, #tpu.memory_space<vmem>> -> memref<64xi32, #tpu.memory_space<vmem>>
        %dma_wait3A_108 = arith.constant 0 : i32
        %dma_wait3A_109 = arith.constant 0 : i32
        %dma_wait3A_110 = tpu.memref_slice %arg2[%dma_wait3A_108, %dma_wait3A_109] : memref<10240x128xf32, #tpu.memory_space<hbm>> -> memref<10240x128xf32, #tpu.memory_space<hbm>>
        tpu.wait_indirect_dma semaphore(%arg16 : memref<!tpu.dma_semaphore, #tpu.memory_space<semaphore_mem>>) src(%dma_wait3A_110 : memref<10240x128xf32, #tpu.memory_space<hbm>>) dst(%arg11 : memref<64x128xf32, #tpu.memory_space<vmem>>)
        %dma_start3A_111 = arith.constant 0 : i32
        %dma_start3A_112 = tpu.memref_slice %arg8[%add3A_104, %dma_start3A_111] : memref<40x64xi32, #tpu.memory_space<vmem>> -> memref<1x64xi32, #tpu.memory_space<vmem>>
        %dma_start3A_113 = tpu.memref_squeeze %dma_start3A_112 : memref<1x64xi32, #tpu.memory_space<vmem>> -> memref<64xi32, #tpu.memory_space<vmem>>
        %dma_start3A_114 = arith.constant 0 : i32
        %dma_start3A_115 = arith.constant 0 : i32
        %dma_start3A_116 = tpu.memref_slice %arg13[%dma_start3A_114, %dma_start3A_115] : memref<10240x128xf32, #tpu.memory_space<vmem_shared>> -> memref<10240x128xf32, #tpu.memory_space<vmem_shared>>
        tpu.enqueue_indirect_dma source(%arg11 : memref<64x128xf32, #tpu.memory_space<vmem>>) target(%dma_start3A_116 : memref<10240x128xf32, #tpu.memory_space<vmem_shared>>) offsets(%dma_start3A_113 : memref<64xi32, #tpu.memory_space<vmem>>) semaphore(%arg20 : memref<!tpu.dma_semaphore, #tpu.memory_space<semaphore_mem>>) {add = true}
        %ge3A_117 = arith.constant 2 : i32
        %ge3A_118 = arith.cmpi sge, %add3A_104, %ge3A_117 : i32
        %convert_element_type3A_119 = arith.extui %ge3A_118 : i1 to i32
        %cond3A_120 = arith.constant 0 : i32
        %cond3A_121 = arith.cmpi ne, %convert_element_type3A_119, %cond3A_120 : i32
        scf.if %cond3A_121 {
          %sub3A = arith.constant 2 : i32
          %sub3A_155 = arith.subi %add3A_104, %sub3A : i32
          %dma_wait3A_156 = arith.constant 0 : i32
          %dma_wait3A_157 = tpu.memref_slice %arg8[%sub3A_155, %dma_wait3A_156] : memref<40x64xi32, #tpu.memory_space<vmem>> -> memref<1x64xi32, #tpu.memory_space<vmem>>
          %dma_wait3A_158 = tpu.memref_squeeze %dma_wait3A_157 : memref<1x64xi32, #tpu.memory_space<vmem>> -> memref<64xi32, #tpu.memory_space<vmem>>
          %dma_wait3A_159 = arith.constant 0 : i32
          %dma_wait3A_160 = arith.constant 0 : i32
          %dma_wait3A_161 = tpu.memref_slice %arg13[%dma_wait3A_159, %dma_wait3A_160] : memref<10240x128xf32, #tpu.memory_space<vmem_shared>> -> memref<10240x128xf32, #tpu.memory_space<vmem_shared>>
          tpu.wait_indirect_dma semaphore(%arg18 : memref<!tpu.dma_semaphore, #tpu.memory_space<semaphore_mem>>) src(%arg9 : memref<64x128xf32, #tpu.memory_space<vmem>>) dst(%dma_wait3A_161 : memref<10240x128xf32, #tpu.memory_space<vmem_shared>>)
        } else {
        }
        %add3A_122 = arith.constant 2 : i32
        %add3A_123 = arith.addi %add3A_104, %add3A_122 : i32
        %lt3A_124 = arith.constant 40 : i32
        %lt3A_125 = arith.cmpi slt, %add3A_123, %lt3A_124 : i32
        %convert_element_type3A_126 = arith.extui %lt3A_125 : i1 to i32
        %cond3A_127 = arith.constant 0 : i32
        %cond3A_128 = arith.cmpi ne, %convert_element_type3A_126, %cond3A_127 : i32
        scf.if %cond3A_128 {
          %add3A_155 = arith.constant 2 : i32
          %add3A_156 = arith.addi %add3A_104, %add3A_155 : i32
          %dma_start3A_157 = arith.constant 0 : i32
          %dma_start3A_158 = tpu.memref_slice %arg7[%add3A_156, %dma_start3A_157] : memref<40x64xi32, #tpu.memory_space<vmem>> -> memref<1x64xi32, #tpu.memory_space<vmem>>
          %dma_start3A_159 = tpu.memref_squeeze %dma_start3A_158 : memref<1x64xi32, #tpu.memory_space<vmem>> -> memref<64xi32, #tpu.memory_space<vmem>>
          %dma_start3A_160 = arith.constant 0 : i32
          %dma_start3A_161 = arith.constant 0 : i32
          %dma_start3A_162 = tpu.memref_slice %arg2[%dma_start3A_160, %dma_start3A_161] : memref<10240x128xf32, #tpu.memory_space<hbm>> -> memref<10240x128xf32, #tpu.memory_space<hbm>>
          tpu.enqueue_indirect_dma source(%dma_start3A_162 : memref<10240x128xf32, #tpu.memory_space<hbm>>) target(%arg9 : memref<64x128xf32, #tpu.memory_space<vmem>>) offsets(%dma_start3A_159 : memref<64xi32, #tpu.memory_space<vmem>>) semaphore(%arg14 : memref<!tpu.dma_semaphore, #tpu.memory_space<semaphore_mem>>)
        } else {
        }
        %add3A_129 = arith.constant 3 : i32
        %add3A_130 = arith.addi %mul3A_54, %add3A_129 : i32
        %dma_wait3A_131 = arith.constant 0 : i32
        %dma_wait3A_132 = tpu.memref_slice %arg7[%add3A_130, %dma_wait3A_131] : memref<40x64xi32, #tpu.memory_space<vmem>> -> memref<1x64xi32, #tpu.memory_space<vmem>>
        %dma_wait3A_133 = tpu.memref_squeeze %dma_wait3A_132 : memref<1x64xi32, #tpu.memory_space<vmem>> -> memref<64xi32, #tpu.memory_space<vmem>>
        %dma_wait3A_134 = arith.constant 0 : i32
        %dma_wait3A_135 = arith.constant 0 : i32
        %dma_wait3A_136 = tpu.memref_slice %arg2[%dma_wait3A_134, %dma_wait3A_135] : memref<10240x128xf32, #tpu.memory_space<hbm>> -> memref<10240x128xf32, #tpu.memory_space<hbm>>
        tpu.wait_indirect_dma semaphore(%arg17 : memref<!tpu.dma_semaphore, #tpu.memory_space<semaphore_mem>>) src(%dma_wait3A_136 : memref<10240x128xf32, #tpu.memory_space<hbm>>) dst(%arg12 : memref<64x128xf32, #tpu.memory_space<vmem>>)
        %dma_start3A_137 = arith.constant 0 : i32
        %dma_start3A_138 = tpu.memref_slice %arg8[%add3A_130, %dma_start3A_137] : memref<40x64xi32, #tpu.memory_space<vmem>> -> memref<1x64xi32, #tpu.memory_space<vmem>>
        %dma_start3A_139 = tpu.memref_squeeze %dma_start3A_138 : memref<1x64xi32, #tpu.memory_space<vmem>> -> memref<64xi32, #tpu.memory_space<vmem>>
        %dma_start3A_140 = arith.constant 0 : i32
        %dma_start3A_141 = arith.constant 0 : i32
        %dma_start3A_142 = tpu.memref_slice %arg13[%dma_start3A_140, %dma_start3A_141] : memref<10240x128xf32, #tpu.memory_space<vmem_shared>> -> memref<10240x128xf32, #tpu.memory_space<vmem_shared>>
        tpu.enqueue_indirect_dma source(%arg12 : memref<64x128xf32, #tpu.memory_space<vmem>>) target(%dma_start3A_142 : memref<10240x128xf32, #tpu.memory_space<vmem_shared>>) offsets(%dma_start3A_139 : memref<64xi32, #tpu.memory_space<vmem>>) semaphore(%arg21 : memref<!tpu.dma_semaphore, #tpu.memory_space<semaphore_mem>>) {add = true}
        %ge3A_143 = arith.constant 2 : i32
        %ge3A_144 = arith.cmpi sge, %add3A_130, %ge3A_143 : i32
        %convert_element_type3A_145 = arith.extui %ge3A_144 : i1 to i32
        %cond3A_146 = arith.constant 0 : i32
        %cond3A_147 = arith.cmpi ne, %convert_element_type3A_145, %cond3A_146 : i32
        scf.if %cond3A_147 {
          %sub3A = arith.constant 2 : i32
          %sub3A_155 = arith.subi %add3A_130, %sub3A : i32
          %dma_wait3A_156 = arith.constant 0 : i32
          %dma_wait3A_157 = tpu.memref_slice %arg8[%sub3A_155, %dma_wait3A_156] : memref<40x64xi32, #tpu.memory_space<vmem>> -> memref<1x64xi32, #tpu.memory_space<vmem>>
          %dma_wait3A_158 = tpu.memref_squeeze %dma_wait3A_157 : memref<1x64xi32, #tpu.memory_space<vmem>> -> memref<64xi32, #tpu.memory_space<vmem>>
          %dma_wait3A_159 = arith.constant 0 : i32
          %dma_wait3A_160 = arith.constant 0 : i32
          %dma_wait3A_161 = tpu.memref_slice %arg13[%dma_wait3A_159, %dma_wait3A_160] : memref<10240x128xf32, #tpu.memory_space<vmem_shared>> -> memref<10240x128xf32, #tpu.memory_space<vmem_shared>>
          tpu.wait_indirect_dma semaphore(%arg19 : memref<!tpu.dma_semaphore, #tpu.memory_space<semaphore_mem>>) src(%arg10 : memref<64x128xf32, #tpu.memory_space<vmem>>) dst(%dma_wait3A_161 : memref<10240x128xf32, #tpu.memory_space<vmem_shared>>)
        } else {
        }
        %add3A_148 = arith.constant 2 : i32
        %add3A_149 = arith.addi %add3A_130, %add3A_148 : i32
        %lt3A_150 = arith.constant 40 : i32
        %lt3A_151 = arith.cmpi slt, %add3A_149, %lt3A_150 : i32
        %convert_element_type3A_152 = arith.extui %lt3A_151 : i1 to i32
        %cond3A_153 = arith.constant 0 : i32
        %cond3A_154 = arith.cmpi ne, %convert_element_type3A_152, %cond3A_153 : i32
        scf.if %cond3A_154 {
          %add3A_155 = arith.constant 2 : i32
          %add3A_156 = arith.addi %add3A_130, %add3A_155 : i32
          %dma_start3A_157 = arith.constant 0 : i32
          %dma_start3A_158 = tpu.memref_slice %arg7[%add3A_156, %dma_start3A_157] : memref<40x64xi32, #tpu.memory_space<vmem>> -> memref<1x64xi32, #tpu.memory_space<vmem>>
          %dma_start3A_159 = tpu.memref_squeeze %dma_start3A_158 : memref<1x64xi32, #tpu.memory_space<vmem>> -> memref<64xi32, #tpu.memory_space<vmem>>
          %dma_start3A_160 = arith.constant 0 : i32
          %dma_start3A_161 = arith.constant 0 : i32
          %dma_start3A_162 = tpu.memref_slice %arg2[%dma_start3A_160, %dma_start3A_161] : memref<10240x128xf32, #tpu.memory_space<hbm>> -> memref<10240x128xf32, #tpu.memory_space<hbm>>
          tpu.enqueue_indirect_dma source(%dma_start3A_162 : memref<10240x128xf32, #tpu.memory_space<hbm>>) target(%arg10 : memref<64x128xf32, #tpu.memory_space<vmem>>) offsets(%dma_start3A_159 : memref<64xi32, #tpu.memory_space<vmem>>) semaphore(%arg15 : memref<!tpu.dma_semaphore, #tpu.memory_space<semaphore_mem>>)
        } else {
        }
      }
      %scan3A_38 = arith.constant 10 : i32
      %dma_wait3A = arith.constant 38 : i32
      %dma_wait3A_39 = arith.constant 0 : i32
      %dma_wait3A_40 = tpu.memref_slice %arg8[%dma_wait3A, %dma_wait3A_39] : memref<40x64xi32, #tpu.memory_space<vmem>> -> memref<1x64xi32, #tpu.memory_space<vmem>>
      %dma_wait3A_41 = tpu.memref_squeeze %dma_wait3A_40 : memref<1x64xi32, #tpu.memory_space<vmem>> -> memref<64xi32, #tpu.memory_space<vmem>>
      %dma_wait3A_42 = arith.constant 0 : i32
      %dma_wait3A_43 = arith.constant 0 : i32
      %dma_wait3A_44 = tpu.memref_slice %arg13[%dma_wait3A_42, %dma_wait3A_43] : memref<10240x128xf32, #tpu.memory_space<vmem_shared>> -> memref<10240x128xf32, #tpu.memory_space<vmem_shared>>
      tpu.wait_indirect_dma semaphore(%arg20 : memref<!tpu.dma_semaphore, #tpu.memory_space<semaphore_mem>>) src(%arg11 : memref<64x128xf32, #tpu.memory_space<vmem>>) dst(%dma_wait3A_44 : memref<10240x128xf32, #tpu.memory_space<vmem_shared>>)
      %dma_wait3A_45 = arith.constant 39 : i32
      %dma_wait3A_46 = arith.constant 0 : i32
      %dma_wait3A_47 = tpu.memref_slice %arg8[%dma_wait3A_45, %dma_wait3A_46] : memref<40x64xi32, #tpu.memory_space<vmem>> -> memref<1x64xi32, #tpu.memory_space<vmem>>
      %dma_wait3A_48 = tpu.memref_squeeze %dma_wait3A_47 : memref<1x64xi32, #tpu.memory_space<vmem>> -> memref<64xi32, #tpu.memory_space<vmem>>
      %dma_wait3A_49 = arith.constant 0 : i32
      %dma_wait3A_50 = arith.constant 0 : i32
      %dma_wait3A_51 = tpu.memref_slice %arg13[%dma_wait3A_49, %dma_wait3A_50] : memref<10240x128xf32, #tpu.memory_space<vmem_shared>> -> memref<10240x128xf32, #tpu.memory_space<vmem_shared>>
      tpu.wait_indirect_dma semaphore(%arg21 : memref<!tpu.dma_semaphore, #tpu.memory_space<semaphore_mem>>) src(%arg12 : memref<64x128xf32, #tpu.memory_space<vmem>>) dst(%dma_wait3A_51 : memref<10240x128xf32, #tpu.memory_space<vmem_shared>>)
    }
    %scan3A_9 = arith.constant 4 : i32
    %barrier3A_10 = arith.constant 0 : index
    tpu.barrier barrier_id(%barrier3A_10)
    %mul3A_11 = arith.constant 640 : i32
    %mul3A_12 = arith.muli %arg1, %mul3A_11 : i32
    %mul3A_13 = arith.constant 640 : i32
    %mul3A_14 = arith.muli %arg1, %mul3A_13 : i32
    "tpu.region"() ({
      %run_scoped3A = tpu.sem_alloc : memref<!tpu.dma_semaphore, #tpu.memory_space<semaphore_mem>>
      %dma_start3A = arith.constant 0 : i32
      %dma_start3A_15 = tpu.memref_slice %arg6[%arg0, %mul3A_14, %dma_start3A] : memref<2x10240x128xf32, #tpu.memory_space<hbm>> -> memref<1x640x128xf32, #tpu.memory_space<hbm>>
      %dma_start3A_16 = tpu.memref_squeeze %dma_start3A_15 : memref<1x640x128xf32, #tpu.memory_space<hbm>> -> memref<640x128xf32, #tpu.memory_space<hbm>>
      %dma_start3A_17 = arith.constant 0 : i32
      %dma_start3A_18 = tpu.memref_slice %arg13[%mul3A_12, %dma_start3A_17] : memref<10240x128xf32, #tpu.memory_space<vmem_shared>> -> memref<640x128xf32, #tpu.memory_space<vmem_shared>>
      tpu.enqueue_dma source(%dma_start3A_18 : memref<640x128xf32, #tpu.memory_space<vmem_shared>>) target(%dma_start3A_16 : memref<640x128xf32, #tpu.memory_space<hbm>>) target_semaphore(%run_scoped3A : memref<!tpu.dma_semaphore, #tpu.memory_space<semaphore_mem>>)
      %dma_wait3A = arith.constant 0 : i32
      %dma_wait3A_19 = tpu.memref_slice %arg6[%arg0, %mul3A_14, %dma_wait3A] : memref<2x10240x128xf32, #tpu.memory_space<hbm>> -> memref<1x640x128xf32, #tpu.memory_space<hbm>>
      %dma_wait3A_20 = tpu.memref_squeeze %dma_wait3A_19 : memref<1x640x128xf32, #tpu.memory_space<hbm>> -> memref<640x128xf32, #tpu.memory_space<hbm>>
      %dma_wait3A_21 = arith.constant 0 : i32
      %dma_wait3A_22 = tpu.memref_slice %arg13[%mul3A_12, %dma_wait3A_21] : memref<10240x128xf32, #tpu.memory_space<vmem_shared>> -> memref<640x128xf32, #tpu.memory_space<vmem_shared>>
      tpu.wait_dma2 semaphore(%run_scoped3A : memref<!tpu.dma_semaphore, #tpu.memory_space<semaphore_mem>>) src(%dma_wait3A_22 : memref<640x128xf32, #tpu.memory_space<vmem_shared>>) dst(%dma_wait3A_20 : memref<640x128xf32, #tpu.memory_space<hbm>>)
      tpu.yield
    }) : () -> ()
    return
  }
}

module attributes {stable_mosaic.version = 14 : i64} {
  func.func @_tc_s1_body(%arg0: i32, %arg1: memref<2x512xf32, #tpu.memory_space<vmem>>, %arg2: memref<512x128xf32, #tpu.memory_space<vmem>>, %arg3: memref<128x128xf32, #tpu.memory_space<vmem>>, %arg4: memref<512x128xf32, #tpu.memory_space<vmem>>) attributes {dimension_semantics = [#tpu.dimension_semantics<arbitrary>], iteration_bounds = array<i64: 20>, scalar_prefetch = 0 : i64, scratch_operands = 0 : i64, tpu.core_type = #tpu.core_type<tc>, window_params = [{transform_indices = @transform_0, window_bounds = array<i64: 2, 512>}, {transform_indices = @transform_1, window_bounds = array<i64: 512, 128>}, {pipeline_mode = #tpu.pipeline_mode<synchronous>, transform_indices = @transform_2, window_bounds = array<i64: 128, 128>}, {transform_indices = @transform_3, window_bounds = array<i64: 512, 128>}]} {
    %get3A = arith.constant 0 : index
    %get3A_0 = arith.constant 0 : index
    %get3A_1 = vector.load %arg1[%get3A, %get3A_0] : memref<2x512xf32, #tpu.memory_space<vmem>>, vector<1x512xf32>
    %get3A_2 = vector.shape_cast %get3A_1 : vector<1x512xf32> to vector<512xf32>
    %add3A = arith.constant 1.000000e+00 : f32
    %add3A_3 = vector.broadcast %add3A : f32 to vector<512xf32>
    %add3A_4 = arith.addf %add3A_3, %get3A_2 : vector<512xf32>
    %get3A_5 = arith.constant 1 : index
    %get3A_6 = arith.constant 0 : index
    %get3A_7 = vector.load %arg1[%get3A_5, %get3A_6] : memref<2x512xf32, #tpu.memory_space<vmem>>, vector<1x512xf32>
    %get3A_8 = vector.shape_cast %get3A_7 : vector<1x512xf32> to vector<512xf32>
    %add3A_9 = arith.addf %add3A_4, %get3A_8 : vector<512xf32>
    %rsqrt3A = math.rsqrt %add3A_9 : vector<512xf32>
    %get3A_10 = arith.constant 0 : index
    %get3A_11 = arith.constant 0 : index
    %get3A_12 = vector.load %arg2[%get3A_10, %get3A_11] : memref<512x128xf32, #tpu.memory_space<vmem>>, vector<512x128xf32>
    %get3A_13 = arith.constant 0 : index
    %get3A_14 = arith.constant 0 : index
    %get3A_15 = vector.load %arg3[%get3A_13, %get3A_14] : memref<128x128xf32, #tpu.memory_space<vmem>>, vector<128x128xf32>
    %dot_general3A = arith.constant dense<0.000000e+00> : vector<512x128xf32>
    %dot_general3A_16 = tpu.matmul %get3A_12, %get3A_15, %dot_general3A {dimension_numbers = #tpu.dot_dimension_numbers<[1], [0], [0], [1], [0, 0, 1, 1], [], []>, transpose_lhs_hint = false} : vector<512x128xf32>, vector<128x128xf32>, vector<512x128xf32> -> vector<512x128xf32>
    %broadcast_in_dim3A = vector.shape_cast %rsqrt3A : vector<512xf32> to vector<512x1xf32>
    %mul3A = vector.broadcast %broadcast_in_dim3A : vector<512x1xf32> to vector<512x128xf32>
    %mul3A_17 = arith.mulf %dot_general3A_16, %mul3A : vector<512x128xf32>
    %swap3A = arith.constant 0 : index
    %swap3A_18 = arith.constant 0 : index
    %swap3A_19 = vector.load %arg4[%swap3A, %swap3A_18] : memref<512x128xf32, #tpu.memory_space<vmem>>, vector<512x128xf32>
    tpu.vector_store %arg4[%swap3A, %swap3A_18], %mul3A_17 {strides = array<i32>} : memref<512x128xf32, #tpu.memory_space<vmem>>, vector<512x128xf32>,
    return
  }
  func.func @transform_0(%arg0: i32) -> (i32, i32) {
    %c0_i32 = arith.constant 0 : i32
    %c0_i32_0 = arith.constant 0 : i32
    return %c0_i32, %arg0 : i32, i32
  }
  func.func @transform_1(%arg0: i32) -> (i32, i32) {
    %c0_i32 = arith.constant 0 : i32
    %c0_i32_0 = arith.constant 0 : i32
    return %arg0, %c0_i32 : i32, i32
  }
  func.func @transform_2(%arg0: i32) -> (i32, i32) {
    %c0_i32 = arith.constant 0 : i32
    %c0_i32_0 = arith.constant 0 : i32
    %c0_i32_1 = arith.constant 0 : i32
    return %c0_i32, %c0_i32_0 : i32, i32
  }
  func.func @transform_3(%arg0: i32) -> (i32, i32) {
    %c0_i32 = arith.constant 0 : i32
    %c0_i32_0 = arith.constant 0 : i32
    return %arg0, %c0_i32 : i32, i32
  }
}

module attributes {stable_mosaic.version = 14 : i64} {
  func.func @_tc_out_body(%arg0: i32, %arg1: memref<2x512xf32, #tpu.memory_space<vmem>>, %arg2: memref<2x512x128xf32, #tpu.memory_space<vmem>>, %arg3: memref<512x128xf32, #tpu.memory_space<vmem>>, %arg4: memref<1x128xf32, #tpu.memory_space<vmem>>, %arg5: memref<512x128xf32, #tpu.memory_space<vmem>>) attributes {dimension_semantics = [#tpu.dimension_semantics<arbitrary>], iteration_bounds = array<i64: 20>, scalar_prefetch = 0 : i64, scratch_operands = 0 : i64, tpu.core_type = #tpu.core_type<tc>, window_params = [{transform_indices = @transform_0, window_bounds = array<i64: 2, 512>}, {transform_indices = @transform_1, window_bounds = array<i64: 2, 512, 128>}, {transform_indices = @transform_2, window_bounds = array<i64: 512, 128>}, {pipeline_mode = #tpu.pipeline_mode<synchronous>, transform_indices = @transform_3, window_bounds = array<i64: 1, 128>}, {transform_indices = @transform_4, window_bounds = array<i64: 512, 128>}]} {
    %get3A = arith.constant 0 : index
    %get3A_0 = arith.constant 0 : index
    %get3A_1 = vector.load %arg1[%get3A, %get3A_0] : memref<2x512xf32, #tpu.memory_space<vmem>>, vector<1x512xf32>
    %get3A_2 = vector.shape_cast %get3A_1 : vector<1x512xf32> to vector<512xf32>
    %add3A = arith.constant 1.000000e+00 : f32
    %add3A_3 = vector.broadcast %add3A : f32 to vector<512xf32>
    %add3A_4 = arith.addf %add3A_3, %get3A_2 : vector<512xf32>
    %get3A_5 = arith.constant 1 : index
    %get3A_6 = arith.constant 0 : index
    %get3A_7 = vector.load %arg1[%get3A_5, %get3A_6] : memref<2x512xf32, #tpu.memory_space<vmem>>, vector<1x512xf32>
    %get3A_8 = vector.shape_cast %get3A_7 : vector<1x512xf32> to vector<512xf32>
    %add3A_9 = arith.addf %add3A_4, %get3A_8 : vector<512xf32>
    %rsqrt3A = math.rsqrt %add3A_9 : vector<512xf32>
    %broadcast_in_dim3A = vector.shape_cast %rsqrt3A : vector<512xf32> to vector<512x1xf32>
    %get3A_10 = arith.constant 0 : index
    %get3A_11 = arith.constant 0 : index
    %get3A_12 = arith.constant 0 : index
    %get3A_13 = vector.load %arg2[%get3A_10, %get3A_11, %get3A_12] : memref<2x512x128xf32, #tpu.memory_space<vmem>>, vector<1x512x128xf32>
    %get3A_14 = vector.shape_cast %get3A_13 : vector<1x512x128xf32> to vector<512x128xf32>
    %get3A_15 = arith.constant 1 : index
    %get3A_16 = arith.constant 0 : index
    %get3A_17 = arith.constant 0 : index
    %get3A_18 = vector.load %arg2[%get3A_15, %get3A_16, %get3A_17] : memref<2x512x128xf32, #tpu.memory_space<vmem>>, vector<1x512x128xf32>
    %get3A_19 = vector.shape_cast %get3A_18 : vector<1x512x128xf32> to vector<512x128xf32>
    %add3A_20 = arith.addf %get3A_14, %get3A_19 : vector<512x128xf32>
    %get3A_21 = arith.constant 0 : index
    %get3A_22 = arith.constant 0 : index
    %get3A_23 = vector.load %arg3[%get3A_21, %get3A_22] : memref<512x128xf32, #tpu.memory_space<vmem>>, vector<512x128xf32>
    %add3A_24 = arith.addf %add3A_20, %get3A_23 : vector<512x128xf32>
    %mul3A = vector.broadcast %broadcast_in_dim3A : vector<512x1xf32> to vector<512x128xf32>
    %mul3A_25 = arith.mulf %mul3A, %add3A_24 : vector<512x128xf32>
    %get3A_26 = arith.constant 0 : index
    %get3A_27 = arith.constant 0 : index
    %get3A_28 = vector.load %arg4[%get3A_26, %get3A_27] : memref<1x128xf32, #tpu.memory_space<vmem>>, vector<1x128xf32>
    %add3A_29 = vector.broadcast %get3A_28 : vector<1x128xf32> to vector<512x128xf32>
    %add3A_30 = arith.addf %mul3A_25, %add3A_29 : vector<512x128xf32>
    %reduce_max3A = arith.constant dense<0xFF800000> : vector<512xf32>
    %reduce_max3A_31 = vector.multi_reduction <maximumf>, %add3A_30, %reduce_max3A [1] : vector<512x128xf32> to vector<512xf32>
    %broadcast_in_dim3A_32 = vector.shape_cast %reduce_max3A_31 : vector<512xf32> to vector<512x1xf32>
    %sub3A = vector.broadcast %broadcast_in_dim3A_32 : vector<512x1xf32> to vector<512x128xf32>
    %sub3A_33 = arith.subf %add3A_30, %sub3A : vector<512x128xf32>
    %exp3A = math.exp %sub3A_33 : vector<512x128xf32>
    %reduce_sum3A = arith.constant dense<0.000000e+00> : vector<512xf32>
    %reduce_sum3A_34 = vector.multi_reduction <add>, %exp3A, %reduce_sum3A [1] : vector<512x128xf32> to vector<512xf32>
    %broadcast_in_dim3A_35 = vector.shape_cast %reduce_sum3A_34 : vector<512xf32> to vector<512x1xf32>
    %div3A = vector.broadcast %broadcast_in_dim3A_35 : vector<512x1xf32> to vector<512x128xf32>
    %div3A_36 = arith.divf %exp3A, %div3A : vector<512x128xf32>
    %swap3A = arith.constant 0 : index
    %swap3A_37 = arith.constant 0 : index
    %swap3A_38 = vector.load %arg5[%swap3A, %swap3A_37] : memref<512x128xf32, #tpu.memory_space<vmem>>, vector<512x128xf32>
    tpu.vector_store %arg5[%swap3A, %swap3A_37], %div3A_36 {strides = array<i32>} : memref<512x128xf32, #tpu.memory_space<vmem>>, vector<512x128xf32>,
    return
  }
  func.func @transform_0(%arg0: i32) -> (i32, i32) {
    %c0_i32 = arith.constant 0 : i32
    %c0_i32_0 = arith.constant 0 : i32
    return %c0_i32, %arg0 : i32, i32
  }
  func.func @transform_1(%arg0: i32) -> (i32, i32, i32) {
    %c0_i32 = arith.constant 0 : i32
    %c0_i32_0 = arith.constant 0 : i32
    %c0_i32_1 = arith.constant 0 : i32
    return %c0_i32, %arg0, %c0_i32_0 : i32, i32, i32
  }
  func.func @transform_2(%arg0: i32) -> (i32, i32) {
    %c0_i32 = arith.constant 0 : i32
    %c0_i32_0 = arith.constant 0 : i32
    return %arg0, %c0_i32 : i32, i32
  }
  func.func @transform_3(%arg0: i32) -> (i32, i32) {
    %c0_i32 = arith.constant 0 : i32
    %c0_i32_0 = arith.constant 0 : i32
    %c0_i32_1 = arith.constant 0 : i32
    return %c0_i32, %c0_i32_0 : i32, i32
  }
  func.func @transform_4(%arg0: i32) -> (i32, i32) {
    %c0_i32 = arith.constant 0 : i32
    %c0_i32_0 = arith.constant 0 : i32
    return %arg0, %c0_i32 : i32, i32
  }
}

module attributes {stable_mosaic.version = 14 : i64} {
  func.func @_tc_mid_body(%arg0: i32, %arg1: memref<2x512xf32, #tpu.memory_space<vmem>>, %arg2: memref<2x512x128xf32, #tpu.memory_space<vmem>>, %arg3: memref<512x128xf32, #tpu.memory_space<vmem>>, %arg4: memref<1x128xf32, #tpu.memory_space<vmem>>, %arg5: memref<128x128xf32, #tpu.memory_space<vmem>>, %arg6: memref<512x128xf32, #tpu.memory_space<vmem>>) attributes {dimension_semantics = [#tpu.dimension_semantics<arbitrary>], iteration_bounds = array<i64: 20>, scalar_prefetch = 0 : i64, scratch_operands = 0 : i64, tpu.core_type = #tpu.core_type<tc>, window_params = [{transform_indices = @transform_0, window_bounds = array<i64: 2, 512>}, {transform_indices = @transform_1, window_bounds = array<i64: 2, 512, 128>}, {transform_indices = @transform_2, window_bounds = array<i64: 512, 128>}, {pipeline_mode = #tpu.pipeline_mode<synchronous>, transform_indices = @transform_3, window_bounds = array<i64: 1, 128>}, {pipeline_mode = #tpu.pipeline_mode<synchronous>, transform_indices = @transform_4, window_bounds = array<i64: 128, 128>}, {transform_indices = @transform_5, window_bounds = array<i64: 512, 128>}]} {
    %get3A = arith.constant 0 : index
    %get3A_0 = arith.constant 0 : index
    %get3A_1 = vector.load %arg1[%get3A, %get3A_0] : memref<2x512xf32, #tpu.memory_space<vmem>>, vector<1x512xf32>
    %get3A_2 = vector.shape_cast %get3A_1 : vector<1x512xf32> to vector<512xf32>
    %add3A = arith.constant 1.000000e+00 : f32
    %add3A_3 = vector.broadcast %add3A : f32 to vector<512xf32>
    %add3A_4 = arith.addf %add3A_3, %get3A_2 : vector<512xf32>
    %get3A_5 = arith.constant 1 : index
    %get3A_6 = arith.constant 0 : index
    %get3A_7 = vector.load %arg1[%get3A_5, %get3A_6] : memref<2x512xf32, #tpu.memory_space<vmem>>, vector<1x512xf32>
    %get3A_8 = vector.shape_cast %get3A_7 : vector<1x512xf32> to vector<512xf32>
    %add3A_9 = arith.addf %add3A_4, %get3A_8 : vector<512xf32>
    %rsqrt3A = math.rsqrt %add3A_9 : vector<512xf32>
    %get3A_10 = arith.constant 0 : index
    %get3A_11 = arith.constant 0 : index
    %get3A_12 = arith.constant 0 : index
    %get3A_13 = vector.load %arg2[%get3A_10, %get3A_11, %get3A_12] : memref<2x512x128xf32, #tpu.memory_space<vmem>>, vector<1x512x128xf32>
    %get3A_14 = vector.shape_cast %get3A_13 : vector<1x512x128xf32> to vector<512x128xf32>
    %get3A_15 = arith.constant 1 : index
    %get3A_16 = arith.constant 0 : index
    %get3A_17 = arith.constant 0 : index
    %get3A_18 = vector.load %arg2[%get3A_15, %get3A_16, %get3A_17] : memref<2x512x128xf32, #tpu.memory_space<vmem>>, vector<1x512x128xf32>
    %get3A_19 = vector.shape_cast %get3A_18 : vector<1x512x128xf32> to vector<512x128xf32>
    %add3A_20 = arith.addf %get3A_14, %get3A_19 : vector<512x128xf32>
    %get3A_21 = arith.constant 0 : index
    %get3A_22 = arith.constant 0 : index
    %get3A_23 = vector.load %arg3[%get3A_21, %get3A_22] : memref<512x128xf32, #tpu.memory_space<vmem>>, vector<512x128xf32>
    %add3A_24 = arith.addf %add3A_20, %get3A_23 : vector<512x128xf32>
    %broadcast_in_dim3A = vector.shape_cast %rsqrt3A : vector<512xf32> to vector<512x1xf32>
    %mul3A = vector.broadcast %broadcast_in_dim3A : vector<512x1xf32> to vector<512x128xf32>
    %mul3A_25 = arith.mulf %mul3A, %add3A_24 : vector<512x128xf32>
    %get3A_26 = arith.constant 0 : index
    %get3A_27 = arith.constant 0 : index
    %get3A_28 = vector.load %arg4[%get3A_26, %get3A_27] : memref<1x128xf32, #tpu.memory_space<vmem>>, vector<1x128xf32>
    %add3A_29 = vector.broadcast %get3A_28 : vector<1x128xf32> to vector<512x128xf32>
    %add3A_30 = arith.addf %mul3A_25, %add3A_29 : vector<512x128xf32>
    %max3A = arith.constant 0.000000e+00 : f32
    %max3A_31 = vector.broadcast %max3A : f32 to vector<512x128xf32>
    %max3A_32 = arith.maximumf %add3A_30, %max3A_31 : vector<512x128xf32>
    %get3A_33 = arith.constant 0 : index
    %get3A_34 = arith.constant 0 : index
    %get3A_35 = vector.load %arg5[%get3A_33, %get3A_34] : memref<128x128xf32, #tpu.memory_space<vmem>>, vector<128x128xf32>
    %dot_general3A = arith.constant dense<0.000000e+00> : vector<512x128xf32>
    %dot_general3A_36 = tpu.matmul %max3A_32, %get3A_35, %dot_general3A {dimension_numbers = #tpu.dot_dimension_numbers<[1], [0], [0], [1], [0, 0, 1, 1], [], []>, transpose_lhs_hint = false} : vector<512x128xf32>, vector<128x128xf32>, vector<512x128xf32> -> vector<512x128xf32>
    %broadcast_in_dim3A_37 = vector.shape_cast %rsqrt3A : vector<512xf32> to vector<512x1xf32>
    %mul3A_38 = vector.broadcast %broadcast_in_dim3A_37 : vector<512x1xf32> to vector<512x128xf32>
    %mul3A_39 = arith.mulf %dot_general3A_36, %mul3A_38 : vector<512x128xf32>
    %swap3A = arith.constant 0 : index
    %swap3A_40 = arith.constant 0 : index
    %swap3A_41 = vector.load %arg6[%swap3A, %swap3A_40] : memref<512x128xf32, #tpu.memory_space<vmem>>, vector<512x128xf32>
    tpu.vector_store %arg6[%swap3A, %swap3A_40], %mul3A_39 {strides = array<i32>} : memref<512x128xf32, #tpu.memory_space<vmem>>, vector<512x128xf32>,
    return
  }
  func.func @transform_0(%arg0: i32) -> (i32, i32) {
    %c0_i32 = arith.constant 0 : i32
    %c0_i32_0 = arith.constant 0 : i32
    return %c0_i32, %arg0 : i32, i32
  }
  func.func @transform_1(%arg0: i32) -> (i32, i32, i32) {
    %c0_i32 = arith.constant 0 : i32
    %c0_i32_0 = arith.constant 0 : i32
    %c0_i32_1 = arith.constant 0 : i32
    return %c0_i32, %arg0, %c0_i32_0 : i32, i32, i32
  }
  func.func @transform_2(%arg0: i32) -> (i32, i32) {
    %c0_i32 = arith.constant 0 : i32
    %c0_i32_0 = arith.constant 0 : i32
    return %arg0, %c0_i32 : i32, i32
  }
  func.func @transform_3(%arg0: i32) -> (i32, i32) {
    %c0_i32 = arith.constant 0 : i32
    %c0_i32_0 = arith.constant 0 : i32
    %c0_i32_1 = arith.constant 0 : i32
    return %c0_i32, %c0_i32_0 : i32, i32
  }
  func.func @transform_4(%arg0: i32) -> (i32, i32) {
    %c0_i32 = arith.constant 0 : i32
    %c0_i32_0 = arith.constant 0 : i32
    %c0_i32_1 = arith.constant 0 : i32
    return %c0_i32, %c0_i32_0 : i32, i32
  }
  func.func @transform_5(%arg0: i32) -> (i32, i32) {
    %c0_i32 = arith.constant 0 : i32
    %c0_i32_0 = arith.constant 0 : i32
    return %arg0, %c0_i32 : i32, i32
  }
}

</mosaic_0001>

<sc_bundles>
// kernel: kernel.11.cloned.1.call-start
scs
__scs_entry_jumppad:
0x0: {  	(pc) =	sbr.rel $0x88, $3  }
0x1: {  	(tag) =	ssettag $0x0;
	lr =	simm.s32 $0x1  }
0x2: {  	[smem:$0x3F9B] =	sst lr;
	_ =	strace $0xD0000000  }
0x3: {  	_ = 	snop  }
0x4: {  	_ = 	snop  }
0x5: {  	_ = 	snop  }
0x6: {  	_ = 	snop  }
0x7: {  	_ = 	snop  }
__scs_overlays_trampoline_lowered:
0x8: {  	[smem:$0x3FAA] =	sst s0  }
0x9: {  	[smem:$0x3FAB] =	sst s1  }
0xa: {  	[smem:$0x3FAC] =	sst s2  }
0xb: {  	[smem:$0x3FAD] =	sst s3  }
0xc: {  	[smem:$0x3FAE] =	sst s4  }
0xd: {  	[smem:$0x3FAF] =	sst s5  }
0xe: {  	[smem:$0x3FB0] =	sst s6  }
0xf: {  	[smem:$0x3FB1] =	sst s7  }
0x10: {  	[smem:$0x3FB2] =	sst s8  }
0x11: {  	[smem:$0x3FB3] =	sst s9;
	s0 =	simm.s32 @!p0 $0x0  }
0x12: {  	s1 =	sld [smem:$0x3F99];
	s0 =	simm.s32 @p0 $0x1  }
0x13: {  	[smem:$0x3FB4] =	sst s0;
	s0 =	simm.s32 @!p1 $0x0  }
0x14: {  	s2 =	sld [smem:$0x3F98];
	s0 =	simm.s32 @p1 $0x1  }
0x15: {  	[smem:$0x3FB5] =	sst s0;
	s0 =	simm.s32 @!p2 $0x0  }
0x16: {  	s3 =	sld [smem:$0x3FDB];
	s0 =	simm.s32 @p2 $0x1  }
0x17: {  	s4 =	simm.s32 $0x1BF5;
	[smem:$0x3FB7] =	sst s0  }
0x18: {  	s0 =	sld [smem:$0x3F9A];
	_ =	swait.ge [sflag:s4], $0x0  }
0x19: {  	s7 =	sld [smem:$0x3F9B]  }
0x1a: {  	s8 =	sadd.s32 $0xFFFFE003, lr  }
0x1b: {  	s9 =	sadd.s32 $0xFFFFFEF7, lr;
	s5 =	simm.s32 $0xFFFFFFFF;
	p2 =	slt.u32 s8, $0xFFFFF086  }
0x1c: {  	p1 =	slt.u32 s9, $0xF7A;
	s5 =	simm.s32 @!p2 $0x0  }
0x1d: {  	s5 =	simm.s32 @p1 $0x1;
	p0 =	seq.s32 s7, s2  }
0x1e: {  	s7 =	smul.u32 @!p0 $0xF7A, s2;
	p2 =	seq.s32 @!p0 s5, $0x0  }
0x1f: {  	s9 =	smul.u32 $0xF7A, s1;
	s8 =	simm.s32 @!p0 $0x1BF5;
	p2 =	por !p2, p0  }
0x20: {  	[sflag:s8] =	ssyncset.s32 @!p0 $0xFFFFF086;
	s6 =	sadd.s32 @!p0 s3, s7;
	s7 =	simm.s32 @!p0 $0x108  }
0x21: {  	s3 =	sadd.s32 s3, s9;
	s6 =	sadd.s32 @!p0 $0x88, s6;
	s7 =	simm.s32 @p2 $0x1082  }
0x22: {  	[simem:s7], [sflag:s8] =	dma.local @!p0 [hbm:s6], $0xF7A  }
0x23: {  	s9 =	sor.u32 $0xD0000000, s2;
	s6 =	simm.s32 $0x108;
	_ =	swait.ge @!p0 [sflag:s8], $0x0  }
0x24: {  	s3 =	sadd.s32 $0x88, s3;
	s6 =	simm.s32 @!p1 $0x1082;
	[sflag:s4] =	ssyncset.s32 $0xFFFFF086  }
0x25: {  	[simem:s6], [sflag:s4] =	dma.local [hbm:s3], $0xF7A  }
0x26: {  	[smem:$0x3F9B] =	sst s1;
	(tag) =	ssettag s2;
	_ =	strace s9  }
0x27: {  	s1 =	sld [smem:$0x3FAB]  }
0x28: {  	s2 =	sld [smem:$0x3FAC]  }
0x29: {  	s4 =	sld [smem:$0x3FAE]  }
0x2a: {  	p0 =	seq.s32 s5, $0x0;
	s5 =	sld [smem:$0x3FAF]  }
0x2b: {  	s6 =	sld [smem:$0x3FB0]  }
0x2c: {  	s7 =	sld [smem:$0x3FB1]  }
0x2d: {  	s3 =	simm.s32 $0x108;
	s8 =	sld [smem:$0x3FB2]  }
0x2e: {  	s3 =	simm.s32 @!p0 $0x1082;
	s9 =	sld [smem:$0x3FB3]  }
0x2f: {  	lr =	sadd.s32 s0, s3;
	s0 =	sld [smem:$0x3FAA]  }
0x30: {  	s3 =	sld [smem:$0x3FAD]  }
0x31: {  	[smem:$0x3FB6] =	sst s10  }
0x32: {  	s10 =	sld [smem:$0x3FB4];
	_ =	sdelay $0x3  }
0x33: {  	p0 =	seq.s32 s10, $0x1;
	s10 =	sld [smem:$0x3FB6];
	_ =	sdelay $0x3  }
0x34: {  	[smem:$0x3FB6] =	sst s10  }
0x35: {  	s10 =	sld [smem:$0x3FB5];
	_ =	sdelay $0x3  }
0x36: {  	p1 =	seq.s32 s10, $0x1;
	s10 =	sld [smem:$0x3FB6];
	_ =	sdelay $0x3  }
0x37: {  	[smem:$0x3FB6] =	sst s10  }
0x38: {  	s10 =	sld [smem:$0x3FB7]  }
0x39: {  	_ = 	snop;
	(pc) =	sbr.ind lr, $3  }
0x3a: {  	_ = 	snop  }
0x3b: {  	_ = 	snop  }
0x3c: {  	p2 =	seq.s32 s10, $0x1;
	s10 =	sld [smem:$0x3FB6]  }
0x3d: {  	_ =	shalt  }
0x3e: {  	_ =	shalt  }
0x3f: {  	_ =	shalt  }
0x40: {  	_ =	shalt  }
0x41: {  	_ =	shalt  }
0x42: {  	_ =	shalt  }
0x43: {  	_ =	shalt  }
0x44: {  	_ =	shalt  }
0x45: {  	_ =	shalt  }
0x46: {  	_ =	shalt  }
0x47: {  	_ =	shalt  }
0x48: {  	_ =	shalt  }
0x49: {  	_ =	shalt  }
0x4a: {  	_ =	shalt  }
0x4b: {  	_ =	shalt  }
0x4c: {  	_ =	shalt  }
0x4d: {  	_ =	shalt  }
0x4e: {  	_ =	shalt  }
0x4f: {  	_ =	shalt  }
0x50: {  	_ =	shalt  }
0x51: {  	_ =	shalt  }
0x52: {  	_ =	shalt  }
0x53: {  	_ =	shalt  }
0x54: {  	_ =	shalt  }
0x55: {  	_ =	shalt  }
0x56: {  	_ =	shalt  }
0x57: {  	_ =	shalt  }
0x58: {  	_ =	shalt  }
0x59: {  	_ =	shalt  }
0x5a: {  	_ =	shalt  }
0x5b: {  	_ =	shalt  }
0x5c: {  	_ =	shalt  }
0x5d: {  	_ =	shalt  }
0x5e: {  	_ =	shalt  }
0x5f: {  	_ =	shalt  }
0x60: {  	_ =	shalt  }
0x61: {  	_ =	shalt  }
0x62: {  	_ =	shalt  }
0x63: {  	_ =	shalt  }
0x64: {  	_ =	shalt  }
0x65: {  	_ =	shalt  }
0x66: {  	_ =	shalt  }
0x67: {  	_ =	shalt  }
0x68: {  	_ =	shalt  }
0x69: {  	_ =	shalt  }
0x6a: {  	_ =	shalt  }
0x6b: {  	_ =	shalt  }
0x6c: {  	_ =	shalt  }
0x6d: {  	_ =	shalt  }
0x6e: {  	_ =	shalt  }
0x6f: {  	_ =	shalt  }
0x70: {  	_ =	shalt  }
0x71: {  	_ =	shalt  }
0x72: {  	_ =	shalt  }
0x73: {  	_ =	shalt  }
0x74: {  	_ =	shalt  }
0x75: {  	_ =	shalt  }
0x76: {  	_ =	shalt  }
0x77: {  	_ =	shalt  }
0x78: {  	_ =	shalt  }
0x79: {  	_ =	shalt  }
0x7a: {  	_ =	shalt  }
0x7b: {  	_ =	shalt  }
0x7c: {  	_ =	shalt  }
0x7d: {  	_ =	shalt  }
0x7e: {  	_ =	shalt  }
0x7f: {  	_ =	shalt  }
0x80: {  	_ =	shalt  }
0x81: {  	_ =	shalt  }
0x82: {  	_ =	shalt  }
0x83: {  	_ =	shalt  }
0x84: {  	_ =	shalt  }
0x85: {  	_ =	shalt  }
0x86: {  	_ =	shalt  }
0x87: {  	_ =	shalt  }
.Lfunc_end0:
.L_simem_size_0:
called_computation.1_lowered:
.L_overlay_start_0:
0x88: {  	s2 =	sld [smem:$0x3FD9]  }
0x89: {  	s3 =	sld [smem:$0x3FFE];
	_ =	sdelay $0x1  }
0x8a: {  	s1 =	srdreg.scid  }
0x8b: {  	s0 =	sand.u32 $0x1, s1  }
0x8c: {  	s17 =	sshll.u32 s0, $0xA;
	s2 =	sadd.s32 s3, s2  }
0x8d: {  	s2 =	sadd.s32 s2, s17  }
0x8e: {  	[smem:$0x3FC2] =	sst s2  }
0x8f: {  	_ = 	snop  }
0x90: {  	s2 =	sld [smem:$0x3FD0];
	(tm) =	ssettm $0x1  }
0x91: {  	s18 =	sld [smem:$0x3FFB];
	_ =	sdelay $0x3  }
0x92: {  	_ =	strace s18  }
0x93: {  	s3 =	sld [smem:$0x3FFC];
	_ =	sdelay $0x3  }
0x94: {  	_ =	strace s3  }
0x95: {  	s3 =	sld [smem:$0x3FFD];
	_ =	sdelay $0x3  }
0x96: {  	_ =	strace s3  }
0x97: {  	_ =	strace $0x8FFFFFFF  }
0x98: {  	s19 =	sld [smem:$0x3FDB];
	_ =	sdelay $0x1  }
0x99: {  	s4 =	simm.s32 $_scs_section_size  }
0x9a: {  	s5 =	simm.s32 $_size__tile_overlayer_lowered;
	s6 =	simm.s32 $_tile_overlayer_lowered  }
0x9b: {  	s22 =	simm.s32 $0x1BFF;
	s21 =	sshll.u32 s6, $0x1;
	s3 =	sadd.s32 s4, s19  }
0x9c: {  	s7 =	simm.s32 $0x0;
	s20 =	sshll.u32 s5, $0x1;
	s5 =	sadd.s32 s21, s3  }
0x9d: {  	[timem:s7], [sflag:s22] =	dma.local [hbm:s5], s20  }
0x9e: {  	_ =	swait.ge [sflag:s22], s20  }
0x9f: {  	s4 =	ssub.s32 $0x0, s20;
	[sflag:s22] =	ssyncset.done $0x0  }
0xa0: {  	[sflag:s22] =	ssyncadd.s32 s4;
	_ =	sdelay $0x1  }
0xa1: {  	s23 =	simm.s32 $0x1B8B  }
0xa2: {  	_ =	swait.ge [sflag:s23], $0x1  }
0xa3: {  	[sflag:s23] =	ssyncset.done $0x0  }
0xa4: {  	s25 =	simm.s32 $0x1B8E;
	s24 =	sld [smem:$0x3FFE];
	[sflag:s23] =	ssyncadd.s32 $0xFFFFFFFF  }
0xa5: {  	s26 =	simm.s32 $execute0_lowered;
	[smem:$0x3FD2] =	sst s25  }
0xa6: {  	s5 =	sshll.u32 s26, $0x1;
	_ =	strace $0x80000049;
	[dreg:$0x1] =	wrdreg $0xFFFFFFFF  }
0xa7: {  	s28 =	simm.s32 $_size_execute0_lowered;
	s3 =	sadd.s32 s3, s5;
	[dreg:$0x0] =	wrdreg $0x0  }
0xa8: {  	s5 =	sshll.u32 s28, $0x1;
	[dreg:$0x2] =	wrdreg s3  }
0xa9: {  	[dreg:$0x3] =	wrdreg s5  }
0xaa: {  	[dreg:$0x4] =	wrdreg $0xC0  }
0xab: {  	_ =	task [dreg:s7], $0x5FFFF  }
0xac: {  	[dreg:$0x1] =	wrdreg $0xFFFFFFFF  }
0xad: {  	[dreg:$0x0] =	wrdreg $0x60  }
0xae: {  	[dreg:$0x2] =	wrdreg s24  }
0xaf: {  	[dreg:$0x3] =	wrdreg s2  }
0xb0: {  	[dreg:$0x4] =	wrdreg $0xA8000  }
0xb1: {  	[dreg:$0x5] =	wrdreg $0x9  }
0xb2: {  	_ =	task.clear_ibuf [dreg:s7], $0x6FFFF;
	_ =	strace $0x90000049  }
0xb3: {  	s29 =	simm.s32 $0x9;
	_ =	strace $0x8000004B  }
0xb4: {  	_ =	swait.ge [sflag:s29], $0x1  }
0xb5: {  	[sflag:s29] =	ssyncadd.s32 $0xFFFFFFFF  }
0xb6: {  	_ =	strace $0x9000004B  }
0xb7: {  	_ =	sfence  }
0xb8: {  	s30 =	sld [smem:$0x0];
	_ =	sdelay $0x2  }
0xb9: {  	s31 =	sshll.u32 s1, $0xD;
	s1 =	sshrl.u32 s1, $0x2  }
0xba: {  	s3 =	sand.u32 $0x4000, s31;
	s1 =	sadd.s32 s1, s30  }
0xbb: {  	s0 =	sor.u32 s3, s0;
	s1 =	sshll.u32 s1, $0x11  }
0xbc: {  	s0 =	sor.u32 s1, s0  }
0xbd: {  	s0 =	sadd.s32 $0x8F2B, s0  }
0xbe: {  	[sflag:s0] =	ssyncadd.remote.s32 $0x1  }
0xbf: {  	_ =	sfence.sel $0xFFFF  }
0xc0: {  	[dreg:$0x0] =	wrdreg $0xFFFFFFFF;
	(pc) =	sbr.abs _section_cstart, $3  }
0xc1: {  	[dreg:$0x1] =	wrdreg $0xFFFFFFFF  }
0xc2: {  	_ =	task.clear_ibuf [dreg:s7], $0x2FFFF;
	_ =	strace $0x9FFFFFFF  }
0xc3: {  	(tm) =	ssettm $0x7FFFFFFF  }
tec
execute0_lowered:
.L_overlay_start_1:
0x0: {  	(tag) =	ssettag $0x1  }
0x1: {  	s0 =	rddreg [dreg:$0x0]  }
0x2: {  	s3 =	rddreg [dreg:$0x2];
	s12 =	simm.s32 $0x0  }
0x3: {  	s10 =	stileid.u32;
	s1 =	srdreg.scid;
	s13 =	simm.s32 $0x9  }
0x4: {  	s14 =	simm.s32 $0x1400;
	s15 =	simm.s32 $0x40;
	s16 =	simm.s32 $0x2800  }
0x5: {  	s18 =	simm.s32 $0x4800;
	s19 =	simm.s32 $0x1;
	s20 =	simm.s32 $0x100  }
0x6: {  	s21 =	simm.s32 $0x6800;
	s28 =	simm.s32 $0x1500;
	s29 =	simm.s32 $0x5  }
0x7: {  	s30 =	simm.s32 $0x200;
	s31 =	simm.s32 $0x4;
	s11 =	simm.s32 $0x8  }
0x8: {  	[smem:$0x7FF] =	sst s12;
	s2 =	smul.u32 $0x14000, s10;
	s1 =	sand.u32 $0x1, s1  }
0x9: {  	s5 =	sadd.s32 $0x21600, s0;
	s6 =	sadd.s32 $0xD600, s0;
	s9 =	smul.u32 $0x50000, s10  }
0xa: {  	s25 =	sshll.u32 s10, $0x6;
	_ =	strace $0x8000004A;
	s4 =	smul.u32 $0x140000, s1  }
0xb: {  	s22 =	ssub.s32 $0x2, s1;
	s1 =	sshll.u32 s1, $0x4;
	s7 =	sshrl.u32 s2, $0x3  }
0xc: {  	s8 =	sshrl.u32 s22, $0x1;
	s1 =	sor.u32 s10, s1;
	s24 =	sshrl.u32 s9, $0x2  }
0xd: {  	s10 =	simm.s32 $0x7;
	s7 =	sadd.s32 s7, s0;
	s2 =	sadd.s32 s2, s4  }
0xe: {  	s23 =	ssub.s32 s22, s8;
	s4 =	sadd.s32 s24, s3;
	s8 =	sor.u32 $0x1C09, s25  }
0xf: {  	s9 =	smul.u32 $0x5000, s1;
	s22 =	simm.s32 $0x2;
	s24 =	simm.s32 $0x180  }
0x10: {  	s25 =	simm.s32 $0x8800;
	s1 =	simm.s32 $0x6;
	s2 =	sshrl.u32 s2, $0x3  }
.Ltmp0:
0x11: {  	s7 =	sadd.s32 $0x49600, s7;
	[dreg:$0x6] =	wrdreg s8;
	(pc) =	sbr.rel .LBB2_1-.Ltmp0, $4  }
0x12: {  	s26 =	smax.u32 s23, $0x1;
	s4 =	sshrl.u32 s4, $0x3;
	[dreg:$0x5] =	wrdreg s7  }
0x13: {  	s23 =	simm.s32 $0x1480;
	s0 =	sadd.s32 s2, s0;
	[dreg:$0x8] =	wrdreg s26  }
0x14: {  	s26 =	simm.s32 $0x3;
	[dreg:$0x9] =	wrdreg s4;
	s0 =	sadd.s32 $0x71600, s0  }
0x15: {  	s7 =	simm.s32 $0x280;
	[dreg:$0x7] =	wrdreg s0;
	s0 =	simm.s32 $0x1580  }
.LBB2_6:
0x16: {  	[bflag:$0x0] =	sbarrier.arrive $0xFFFF  }
0x17: {  	s8 =	rddreg [dreg:$0x6]  }
0x18: {  	s2 =	rddreg [dreg:$0x7]  }
0x19: {  	s4 =	rddreg [dreg:$0x9]  }
0x1a: {  	[hbm:s2], [sflag:s8] =	dma.local [spmem:s4], $0x2800  }
0x1b: {  	_ =	swait.ge [sflag:s13], $0x2800  }
0x1c: {  	s12 =	rddreg [dreg:$0x4]  }
0x1d: {  	s17 =	rddreg [dreg:$0x8];
	s12 =	sadd.s32 $0x1, s12  }
0x1e: {  	p0 =	sne.s32 s12, s17  }
.Ltmp1:
0x1f: {  	_ = 	snop;
	(pc) =	sbr.rel @!p0 .LBB2_7-.Ltmp1, $3  }
0x20: {  	_ =	sdelay $0x1  }
0x21: {  	[sflag:s13] =	ssyncset.done $0x0  }
0x22: {  	[sflag:s13] =	ssyncadd.s32 $0xFFFFD800  }
.LBB2_1:
0x23: {  	[dreg:$0x4] =	wrdreg s12  }
0x24: {  	s2 =	rddreg [dreg:$0x5]  }
0x25: {  	[spmem:s4], [sflag:s8] =	dma.local [hbm:s2], $0x2800  }
.Ltmp2:
0x26: {  	_ =	swait.ge [sflag:s13], $0x2800;
	(pc) =	sbr.rel .LBB2_2-.Ltmp2, $4  }
0x27: {  	[sflag:s13] =	ssyncset.done $0x0  }
0x28: {  	[sflag:s13] =	ssyncadd.s32 $0xFFFFD800  }
0x29: {  	[bflag:$0x0] =	sbarrier.arrive $0xFFFF  }
0x2a: {  	s8 =	simm.s32 $0x0  }
.LBB2_5:
0x2b: {  	_ =	swait.ge [sflag:s31], $0x2000  }
0x2c: {  	[sflag:s31] =	ssyncset.done $0x0  }
0x2d: {  	[sflag:s31] =	ssyncadd.s32 $0xFFFFE000  }
0x2e: {  	[spmem:s3] =	stream.indirect.scatter.add.f32 [tilespmem:s25], [sflag:$0x8], $0x80, s2, s15, $0xb8;
	[tilespmem:$0x1E800] =	vst v63  }
0x2f: {  	_ =	swait.ge [sflag:s1], $0x2000  }
0x30: {  	[sflag:s1] =	ssyncset.done $0x0  }
0x31: {  	s8 =	sadd.s32 $0x1, s8;
	[sflag:s1] =	ssyncadd.s32 $0xFFFFE000  }
0x32: {  	p0 =	sne.s32 s8, $0x4;
	_ =	swait.ge [sflag:s10], $0x2000  }
.Ltmp3:
0x33: {  	[sflag:s10] =	ssyncset.done $0x0;
	(pc) =	sbr.rel @!p0 .LBB2_6-.Ltmp3, $4  }
0x34: {  	[sflag:s10] =	ssyncadd.s32 $0xFFFFE000  }
0x35: {  	_ =	swait.ge [sflag:s11], $0x2000  }
0x36: {  	[sflag:s11] =	ssyncset.done $0x0  }
0x37: {  	[sflag:s11] =	ssyncadd.s32 $0xFFFFE000  }
.LBB2_2:
0x38: {  	s2 =	smul.u32 $0x1400, s8;
	_ =	sdelay $0x1  }
0x39: {  	s2 =	sadd.s32 s9, s2  }
0x3a: {  	s4 =	rddreg [dreg:$0x1];
	s2 =	sshrl.u32 s2, $0x3  }
0x3b: {  	s12 =	simm.s32 $0x0;
	s4 =	sadd.s32 s4, s2  }
0x3c: {  	[tilespmem:s12], [sflag:$0x9] =	stream.linear.gather [hbm4b:s4+s12], $0x1400, $0x38;
	[tilespmem:$0x1E800] =	vst v63  }
0x3d: {  	_ =	swait.ge [sflag:s13], $0x1400  }
0x3e: {  	[sflag:s13] =	ssyncset.done $0x0  }
0x3f: {  	s2 =	sadd.s32 s6, s2;
	[sflag:s13] =	ssyncadd.s32 $0xFFFFEC00  }
0x40: {  	[tilespmem:s14], [sflag:$0x9] =	stream.linear.gather [hbm4b:s2+s12], $0x1400, $0x38;
	[tilespmem:$0x1E800] =	vst v63  }
0x41: {  	_ =	swait.ge [sflag:s13], $0x1400  }
0x42: {  	[sflag:s13] =	ssyncset.done $0x0  }
0x43: {  	[sflag:s13] =	ssyncadd.s32 $0xFFFFEC00  }
0x44: {  	[tilespmem:s16], [sflag:$0x1] =	stream.indirect.gather [hbm4b:s5+s15], $0x80, s12, s15, $0xb8;
	[tilespmem:$0x1E800] =	vst v63  }
0x45: {  	s17 =	simm.s32 $0x80  }
0x46: {  	[tilespmem:s18], [sflag:$0x2] =	stream.indirect.gather [hbm4b:s5+s15], $0x80, s17, s15, $0xb8;
	[tilespmem:$0x1E800] =	vst v63  }
0x47: {  	_ =	swait.ge [sflag:s19], $0x2000  }
0x48: {  	[sflag:s19] =	ssyncset.done $0x0  }
0x49: {  	[sflag:s19] =	ssyncadd.s32 $0xFFFFE000  }
0x4a: {  	[spmem:s3] =	stream.indirect.scatter.add.f32 [tilespmem:s16], [sflag:$0x5], $0x80, s14, s15, $0xb8;
	[tilespmem:$0x1E800] =	vst v63  }
0x4b: {  	_ = 	snop  }
0x4c: {  	[tilespmem:s21], [sflag:$0x3] =	stream.indirect.gather [hbm4b:s5+s15], $0x80, s20, s15, $0xb8;
	[tilespmem:$0x1E800] =	vst v63  }
0x4d: {  	_ =	swait.ge [sflag:s22], $0x2000  }
0x4e: {  	[sflag:s22] =	ssyncset.done $0x0  }
0x4f: {  	[sflag:s22] =	ssyncadd.s32 $0xFFFFE000  }
0x50: {  	[spmem:s3] =	stream.indirect.scatter.add.f32 [tilespmem:s18], [sflag:$0x6], $0x80, s23, s15, $0xb8;
	[tilespmem:$0x1E800] =	vst v63  }
0x51: {  	_ = 	snop  }
0x52: {  	[tilespmem:s25], [sflag:$0x4] =	stream.indirect.gather [hbm4b:s5+s15], $0x80, s24, s15, $0xb8;
	[tilespmem:$0x1E800] =	vst v63  }
0x53: {  	_ =	swait.ge [sflag:s26], $0x2000  }
0x54: {  	[sflag:s26] =	ssyncset.done $0x0  }
0x55: {  	[sflag:s26] =	ssyncadd.s32 $0xFFFFE000  }
0x56: {  	[spmem:s3] =	stream.indirect.scatter.add.f32 [tilespmem:s21], [sflag:$0x7], $0x80, s28, s15, $0xb8;
	[tilespmem:$0x1E800] =	vst v63  }
0x57: {  	_ =	swait.ge [sflag:s29], $0x2000  }
0x58: {  	[sflag:s29] =	ssyncset.done $0x0  }
0x59: {  	[sflag:s29] =	ssyncadd.s32 $0xFFFFE000  }
0x5a: {  	[tilespmem:s16], [sflag:$0x1] =	stream.indirect.gather [hbm4b:s5+s15], $0x80, s30, s15, $0xb8;
	[tilespmem:$0x1E800] =	vst v63  }
0x5b: {  	_ =	swait.ge [sflag:s31], $0x2000  }
0x5c: {  	[sflag:s31] =	ssyncset.done $0x0  }
0x5d: {  	[sflag:s31] =	ssyncadd.s32 $0xFFFFE000  }
0x5e: {  	[spmem:s3] =	stream.indirect.scatter.add.f32 [tilespmem:s25], [sflag:$0x8], $0x80, s0, s15, $0xb8;
	[tilespmem:$0x1E800] =	vst v63  }
0x5f: {  	_ =	swait.ge [sflag:s1], $0x2000  }
0x60: {  	[sflag:s1] =	ssyncset.done $0x0  }
0x61: {  	[sflag:s1] =	ssyncadd.s32 $0xFFFFE000  }
0x62: {  	[tilespmem:s18], [sflag:$0x2] =	stream.indirect.gather [hbm4b:s5+s15], $0x80, s7, s15, $0xb8;
	[tilespmem:$0x1E800] =	vst v63  }
.LBB2_3:
0x63: {  	_ =	swait.ge [sflag:s19], $0x2000  }
0x64: {  	s4 =	sshra.s32 s12, $0x2;
	[sflag:s19] =	ssyncset.done $0x0  }
0x65: {  	s2 =	sadd.s32 $0x1600, s4;
	[sflag:s19] =	ssyncadd.s32 $0xFFFFE000  }
0x66: {  	[spmem:s3] =	stream.indirect.scatter.add.f32 [tilespmem:s16], [sflag:$0x5], $0x80, s2, s15, $0xb8;
	[tilespmem:$0x1E800] =	vst v63  }
0x67: {  	_ =	swait.ge [sflag:s10], $0x2000  }
0x68: {  	[sflag:s10] =	ssyncset.done $0x0  }
0x69: {  	s17 =	sadd.s32 $0x300, s4;
	[sflag:s10] =	ssyncadd.s32 $0xFFFFE000  }
0x6a: {  	[tilespmem:s21], [sflag:$0x3] =	stream.indirect.gather [hbm4b:s5+s15], $0x80, s17, s15, $0xb8;
	[tilespmem:$0x1E800] =	vst v63  }
0x6b: {  	_ =	swait.ge [sflag:s22], $0x2000  }
0x6c: {  	[sflag:s22] =	ssyncset.done $0x0  }
0x6d: {  	s17 =	sadd.s32 $0x1680, s4;
	[sflag:s22] =	ssyncadd.s32 $0xFFFFE000  }
0x6e: {  	[spmem:s3] =	stream.indirect.scatter.add.f32 [tilespmem:s18], [sflag:$0x6], $0x80, s17, s15, $0xb8;
	[tilespmem:$0x1E800] =	vst v63  }
0x6f: {  	_ =	swait.ge [sflag:s11], $0x2000  }
0x70: {  	[sflag:s11] =	ssyncset.done $0x0  }
0x71: {  	s17 =	sadd.s32 $0x380, s4;
	[sflag:s11] =	ssyncadd.s32 $0xFFFFE000  }
0x72: {  	[tilespmem:s25], [sflag:$0x4] =	stream.indirect.gather [hbm4b:s5+s15], $0x80, s17, s15, $0xb8;
	[tilespmem:$0x1E800] =	vst v63  }
0x73: {  	_ =	swait.ge [sflag:s26], $0x2000  }
0x74: {  	p0 =	seq.s32 s12, $0x4000;
	[sflag:s26] =	ssyncset.done $0x0  }
.Ltmp4:
0x75: {  	s17 =	sadd.s32 $0x1700, s4;
	[sflag:s26] =	ssyncadd.s32 $0xFFFFE000;
	(pc) =	sbr.rel @p0 .LBB2_5-.Ltmp4, $4  }
0x76: {  	[spmem:s3] =	stream.indirect.scatter.add.f32 [tilespmem:s21], [sflag:$0x7], $0x80, s17, s15, $0xb8;
	[tilespmem:$0x1E800] =	vst v63  }
0x77: {  	_ =	swait.ge [sflag:s29], $0x2000  }
0x78: {  	[sflag:s29] =	ssyncset.done $0x0  }
0x79: {  	s2 =	sadd.s32 $0x1780, s4;
	[sflag:s29] =	ssyncadd.s32 $0xFFFFE000  }
0x7a: {  	s17 =	sadd.s32 $0x400, s4  }
0x7b: {  	[tilespmem:s16], [sflag:$0x1] =	stream.indirect.gather [hbm4b:s5+s15], $0x80, s17, s15, $0xb8;
	[tilespmem:$0x1E800] =	vst v63  }
0x7c: {  	_ =	swait.ge [sflag:s31], $0x2000  }
0x7d: {  	[sflag:s31] =	ssyncset.done $0x0  }
0x7e: {  	[sflag:s31] =	ssyncadd.s32 $0xFFFFE000  }
0x7f: {  	[spmem:s3] =	stream.indirect.scatter.add.f32 [tilespmem:s25], [sflag:$0x8], $0x80, s2, s15, $0xb8;
	[tilespmem:$0x1E800] =	vst v63  }
.Ltmp5:
0x80: {  	_ = 	snop;
	(pc) =	sbr.rel .LBB2_3-.Ltmp5, $4  }
0x81: {  	_ =	swait.ge [sflag:s1], $0x2000  }
0x82: {  	[sflag:s1] =	ssyncset.done $0x0  }
0x83: {  	s12 =	sadd.s32 $0x800, s12;
	s17 =	sadd.s32 $0x480, s4;
	[sflag:s1] =	ssyncadd.s32 $0xFFFFE000  }
0x84: {  	[tilespmem:s18], [sflag:$0x2] =	stream.indirect.gather [hbm4b:s5+s15], $0x80, s17, s15, $0xb8;
	[tilespmem:$0x1E800] =	vst v63  }
.LBB2_7:
0x85: {  	_ =	sfence.sel $0x180000  }
0x86: {  	[bflag:$0x0] =	sbarrier.arrive $0xFFFF  }
0x87: {  	_ =	strace $0x9000004A  }
0x88: {  	s0 =	stileid.u32;
	[bflag:$0x2] =	sbarrier.arrive $0xFFFF  }
0x89: {  	p0 =	sne.s32 s0, $0x0;
	s0 =	rddreg [dreg:$0x3]  }
0x8a: {  	s0 =	sadd.s32 @!p0 $0x100000, s0  }
0x8b: {  	[sflag:s0] =	ssyncadd.tile.s32 @!p0 $0x1;
	_ =	shalt  }
.Lfunc_end2:
_tile_overlayer_lowered:
.L_overlay_start_2:
0x8c: {  	(tag) =	ssettag $0x2  }
0x8d: {  	s0 =	rddreg [dreg:$0x0];
	s2 =	stileid.u32  }
0x8e: {  	s1 =	rddreg [dreg:$0x1];
	p0 =	sne.s32 s2, $0x0  }
0x8f: {  	s3 =	rddreg [dreg:$0x2];
	[bflag:$0x3] =	sbarrier.arrive $0xFFFF;
	s2 =	simm.s32 @!p0 $0x1C09  }
0x90: {  	[timem:s3], [sflag:s2] =	dma.local @!p0 [hbm:s0], s1  }
0x91: {  	s0 =	simm.s32 @!p0 $0x9  }
0x92: {  	_ =	swait.ge @!p0 [sflag:s0], s1  }
0x93: {  	s1 =	ssub.s32 @!p0 $0x0, s1;
	[sflag:s0] =	ssyncset.done @!p0 $0x0  }
0x94: {  	[sflag:s0] =	ssyncadd.s32 @!p0 s1  }
0x95: {  	[bflag:$0x3] =	sbarrier.arrive $0xFFFF  }
0x96: {  	_ =	shalt  }

// kernel: kernel.14.cloned.1.call-start
scs
__scs_entry_jumppad:
0x0: {  	(pc) =	sbr.rel $0x88, $3  }
0x1: {  	(tag) =	ssettag $0x0;
	lr =	simm.s32 $0x1  }
0x2: {  	[smem:$0x3F9B] =	sst lr;
	_ =	strace $0xD0000000  }
0x3: {  	_ = 	snop  }
0x4: {  	_ = 	snop  }
0x5: {  	_ = 	snop  }
0x6: {  	_ = 	snop  }
0x7: {  	_ = 	snop  }
__scs_overlays_trampoline_lowered:
0x8: {  	[smem:$0x3FAA] =	sst s0  }
0x9: {  	[smem:$0x3FAB] =	sst s1  }
0xa: {  	[smem:$0x3FAC] =	sst s2  }
0xb: {  	[smem:$0x3FAD] =	sst s3  }
0xc: {  	[smem:$0x3FAE] =	sst s4  }
0xd: {  	[smem:$0x3FAF] =	sst s5  }
0xe: {  	[smem:$0x3FB0] =	sst s6  }
0xf: {  	[smem:$0x3FB1] =	sst s7  }
0x10: {  	[smem:$0x3FB2] =	sst s8  }
0x11: {  	[smem:$0x3FB3] =	sst s9;
	s0 =	simm.s32 @!p0 $0x0  }
0x12: {  	s1 =	sld [smem:$0x3F99];
	s0 =	simm.s32 @p0 $0x1  }
0x13: {  	[smem:$0x3FB4] =	sst s0;
	s0 =	simm.s32 @!p1 $0x0  }
0x14: {  	s2 =	sld [smem:$0x3F98];
	s0 =	simm.s32 @p1 $0x1  }
0x15: {  	[smem:$0x3FB5] =	sst s0;
	s0 =	simm.s32 @!p2 $0x0  }
0x16: {  	s3 =	sld [smem:$0x3FDB];
	s0 =	simm.s32 @p2 $0x1  }
0x17: {  	s4 =	simm.s32 $0x1BF5;
	[smem:$0x3FB7] =	sst s0  }
0x18: {  	s0 =	sld [smem:$0x3F9A];
	_ =	swait.ge [sflag:s4], $0x0  }
0x19: {  	s7 =	sld [smem:$0x3F9B]  }
0x1a: {  	s8 =	sadd.s32 $0xFFFFE003, lr  }
0x1b: {  	s9 =	sadd.s32 $0xFFFFFEF7, lr;
	s5 =	simm.s32 $0xFFFFFFFF;
	p2 =	slt.u32 s8, $0xFFFFF086  }
0x1c: {  	p1 =	slt.u32 s9, $0xF7A;
	s5 =	simm.s32 @!p2 $0x0  }
0x1d: {  	s5 =	simm.s32 @p1 $0x1;
	p0 =	seq.s32 s7, s2  }
0x1e: {  	s7 =	smul.u32 @!p0 $0xF7A, s2;
	p2 =	seq.s32 @!p0 s5, $0x0  }
0x1f: {  	s9 =	smul.u32 $0xF7A, s1;
	s8 =	simm.s32 @!p0 $0x1BF5;
	p2 =	por !p2, p0  }
0x20: {  	[sflag:s8] =	ssyncset.s32 @!p0 $0xFFFFF086;
	s6 =	sadd.s32 @!p0 s3, s7;
	s7 =	simm.s32 @!p0 $0x108  }
0x21: {  	s3 =	sadd.s32 s3, s9;
	s6 =	sadd.s32 @!p0 $0x88, s6;
	s7 =	simm.s32 @p2 $0x1082  }
0x22: {  	[simem:s7], [sflag:s8] =	dma.local @!p0 [hbm:s6], $0xF7A  }
0x23: {  	s9 =	sor.u32 $0xD0000000, s2;
	s6 =	simm.s32 $0x108;
	_ =	swait.ge @!p0 [sflag:s8], $0x0  }
0x24: {  	s3 =	sadd.s32 $0x88, s3;
	s6 =	simm.s32 @!p1 $0x1082;
	[sflag:s4] =	ssyncset.s32 $0xFFFFF086  }
0x25: {  	[simem:s6], [sflag:s4] =	dma.local [hbm:s3], $0xF7A  }
0x26: {  	[smem:$0x3F9B] =	sst s1;
	(tag) =	ssettag s2;
	_ =	strace s9  }
0x27: {  	s1 =	sld [smem:$0x3FAB]  }
0x28: {  	s2 =	sld [smem:$0x3FAC]  }
0x29: {  	s4 =	sld [smem:$0x3FAE]  }
0x2a: {  	p0 =	seq.s32 s5, $0x0;
	s5 =	sld [smem:$0x3FAF]  }
0x2b: {  	s6 =	sld [smem:$0x3FB0]  }
0x2c: {  	s7 =	sld [smem:$0x3FB1]  }
0x2d: {  	s3 =	simm.s32 $0x108;
	s8 =	sld [smem:$0x3FB2]  }
0x2e: {  	s3 =	simm.s32 @!p0 $0x1082;
	s9 =	sld [smem:$0x3FB3]  }
0x2f: {  	lr =	sadd.s32 s0, s3;
	s0 =	sld [smem:$0x3FAA]  }
0x30: {  	s3 =	sld [smem:$0x3FAD]  }
0x31: {  	[smem:$0x3FB6] =	sst s10  }
0x32: {  	s10 =	sld [smem:$0x3FB4];
	_ =	sdelay $0x3  }
0x33: {  	p0 =	seq.s32 s10, $0x1;
	s10 =	sld [smem:$0x3FB6];
	_ =	sdelay $0x3  }
0x34: {  	[smem:$0x3FB6] =	sst s10  }
0x35: {  	s10 =	sld [smem:$0x3FB5];
	_ =	sdelay $0x3  }
0x36: {  	p1 =	seq.s32 s10, $0x1;
	s10 =	sld [smem:$0x3FB6];
	_ =	sdelay $0x3  }
0x37: {  	[smem:$0x3FB6] =	sst s10  }
0x38: {  	s10 =	sld [smem:$0x3FB7]  }
0x39: {  	_ = 	snop;
	(pc) =	sbr.ind lr, $3  }
0x3a: {  	_ = 	snop  }
0x3b: {  	_ = 	snop  }
0x3c: {  	p2 =	seq.s32 s10, $0x1;
	s10 =	sld [smem:$0x3FB6]  }
0x3d: {  	_ =	shalt  }
0x3e: {  	_ =	shalt  }
0x3f: {  	_ =	shalt  }
0x40: {  	_ =	shalt  }
0x41: {  	_ =	shalt  }
0x42: {  	_ =	shalt  }
0x43: {  	_ =	shalt  }
0x44: {  	_ =	shalt  }
0x45: {  	_ =	shalt  }
0x46: {  	_ =	shalt  }
0x47: {  	_ =	shalt  }
0x48: {  	_ =	shalt  }
0x49: {  	_ =	shalt  }
0x4a: {  	_ =	shalt  }
0x4b: {  	_ =	shalt  }
0x4c: {  	_ =	shalt  }
0x4d: {  	_ =	shalt  }
0x4e: {  	_ =	shalt  }
0x4f: {  	_ =	shalt  }
0x50: {  	_ =	shalt  }
0x51: {  	_ =	shalt  }
0x52: {  	_ =	shalt  }
0x53: {  	_ =	shalt  }
0x54: {  	_ =	shalt  }
0x55: {  	_ =	shalt  }
0x56: {  	_ =	shalt  }
0x57: {  	_ =	shalt  }
0x58: {  	_ =	shalt  }
0x59: {  	_ =	shalt  }
0x5a: {  	_ =	shalt  }
0x5b: {  	_ =	shalt  }
0x5c: {  	_ =	shalt  }
0x5d: {  	_ =	shalt  }
0x5e: {  	_ =	shalt  }
0x5f: {  	_ =	shalt  }
0x60: {  	_ =	shalt  }
0x61: {  	_ =	shalt  }
0x62: {  	_ =	shalt  }
0x63: {  	_ =	shalt  }
0x64: {  	_ =	shalt  }
0x65: {  	_ =	shalt  }
0x66: {  	_ =	shalt  }
0x67: {  	_ =	shalt  }
0x68: {  	_ =	shalt  }
0x69: {  	_ =	shalt  }
0x6a: {  	_ =	shalt  }
0x6b: {  	_ =	shalt  }
0x6c: {  	_ =	shalt  }
0x6d: {  	_ =	shalt  }
0x6e: {  	_ =	shalt  }
0x6f: {  	_ =	shalt  }
0x70: {  	_ =	shalt  }
0x71: {  	_ =	shalt  }
0x72: {  	_ =	shalt  }
0x73: {  	_ =	shalt  }
0x74: {  	_ =	shalt  }
0x75: {  	_ =	shalt  }
0x76: {  	_ =	shalt  }
0x77: {  	_ =	shalt  }
0x78: {  	_ =	shalt  }
0x79: {  	_ =	shalt  }
0x7a: {  	_ =	shalt  }
0x7b: {  	_ =	shalt  }
0x7c: {  	_ =	shalt  }
0x7d: {  	_ =	shalt  }
0x7e: {  	_ =	shalt  }
0x7f: {  	_ =	shalt  }
0x80: {  	_ =	shalt  }
0x81: {  	_ =	shalt  }
0x82: {  	_ =	shalt  }
0x83: {  	_ =	shalt  }
0x84: {  	_ =	shalt  }
0x85: {  	_ =	shalt  }
0x86: {  	_ =	shalt  }
0x87: {  	_ =	shalt  }
.Lfunc_end0:
.L_simem_size_0:
called_computation.2_lowered:
.L_overlay_start_0:
0x88: {  	s2 =	sld [smem:$0x3FD9]  }
0x89: {  	s3 =	sld [smem:$0x3FFE];
	_ =	sdelay $0x1  }
0x8a: {  	s1 =	srdreg.scid  }
0x8b: {  	s0 =	sand.u32 $0x1, s1  }
0x8c: {  	s17 =	sshll.u32 s0, $0xA;
	s2 =	sadd.s32 s3, s2  }
0x8d: {  	s2 =	sadd.s32 s2, s17  }
0x8e: {  	[smem:$0x3FC2] =	sst s2  }
0x8f: {  	_ = 	snop  }
0x90: {  	s2 =	sld [smem:$0x3FD0];
	(tm) =	ssettm $0x1  }
0x91: {  	s18 =	sld [smem:$0x3FFB];
	_ =	sdelay $0x3  }
0x92: {  	_ =	strace s18  }
0x93: {  	s3 =	sld [smem:$0x3FFC];
	_ =	sdelay $0x3  }
0x94: {  	_ =	strace s3  }
0x95: {  	s3 =	sld [smem:$0x3FFD];
	_ =	sdelay $0x3  }
0x96: {  	_ =	strace s3  }
0x97: {  	_ =	strace $0x8FFFFFFF  }
0x98: {  	s19 =	sld [smem:$0x3FDB];
	_ =	sdelay $0x1  }
0x99: {  	s4 =	simm.s32 $_scs_section_size  }
0x9a: {  	s5 =	simm.s32 $_size__tile_overlayer_lowered;
	s6 =	simm.s32 $_tile_overlayer_lowered  }
0x9b: {  	s22 =	simm.s32 $0x1BFF;
	s21 =	sshll.u32 s6, $0x1;
	s3 =	sadd.s32 s4, s19  }
0x9c: {  	s7 =	simm.s32 $0x0;
	s20 =	sshll.u32 s5, $0x1;
	s5 =	sadd.s32 s21, s3  }
0x9d: {  	[timem:s7], [sflag:s22] =	dma.local [hbm:s5], s20  }
0x9e: {  	_ =	swait.ge [sflag:s22], s20  }
0x9f: {  	s4 =	ssub.s32 $0x0, s20;
	[sflag:s22] =	ssyncset.done $0x0  }
0xa0: {  	[sflag:s22] =	ssyncadd.s32 s4;
	_ =	sdelay $0x1  }
0xa1: {  	s23 =	simm.s32 $0x1B8B  }
0xa2: {  	_ =	swait.ge [sflag:s23], $0x1  }
0xa3: {  	[sflag:s23] =	ssyncset.done $0x0  }
0xa4: {  	s25 =	simm.s32 $0x1B8E;
	s24 =	sld [smem:$0x3FFE];
	[sflag:s23] =	ssyncadd.s32 $0xFFFFFFFF  }
0xa5: {  	s26 =	simm.s32 $execute0_lowered;
	[smem:$0x3FD2] =	sst s25  }
0xa6: {  	s5 =	sshll.u32 s26, $0x1;
	_ =	strace $0x8000004C;
	[dreg:$0x1] =	wrdreg $0xFFFFFFFF  }
0xa7: {  	s28 =	simm.s32 $_size_execute0_lowered;
	s3 =	sadd.s32 s3, s5;
	[dreg:$0x0] =	wrdreg $0x0  }
0xa8: {  	s5 =	sshll.u32 s28, $0x1;
	[dreg:$0x2] =	wrdreg s3  }
0xa9: {  	[dreg:$0x3] =	wrdreg s5  }
0xaa: {  	[dreg:$0x4] =	wrdreg $0xC0  }
0xab: {  	_ =	task [dreg:s7], $0x5FFFF  }
0xac: {  	[dreg:$0x1] =	wrdreg $0xFFFFFFFF  }
0xad: {  	[dreg:$0x0] =	wrdreg $0x60  }
0xae: {  	[dreg:$0x2] =	wrdreg s24  }
0xaf: {  	[dreg:$0x3] =	wrdreg s2  }
0xb0: {  	[dreg:$0x4] =	wrdreg $0xA8000  }
0xb1: {  	[dreg:$0x5] =	wrdreg $0x9  }
0xb2: {  	_ =	task.clear_ibuf [dreg:s7], $0x6FFFF;
	_ =	strace $0x9000004C  }
0xb3: {  	s29 =	simm.s32 $0x9;
	_ =	strace $0x8000004E  }
0xb4: {  	_ =	swait.ge [sflag:s29], $0x1  }
0xb5: {  	[sflag:s29] =	ssyncadd.s32 $0xFFFFFFFF  }
0xb6: {  	_ =	strace $0x9000004E  }
0xb7: {  	_ =	sfence  }
0xb8: {  	s30 =	sld [smem:$0x0];
	_ =	sdelay $0x2  }
0xb9: {  	s31 =	sshll.u32 s1, $0xD;
	s1 =	sshrl.u32 s1, $0x2  }
0xba: {  	s3 =	sand.u32 $0x4000, s31;
	s1 =	sadd.s32 s1, s30  }
0xbb: {  	s0 =	sor.u32 s3, s0;
	s1 =	sshll.u32 s1, $0x11  }
0xbc: {  	s0 =	sor.u32 s1, s0  }
0xbd: {  	s0 =	sadd.s32 $0x8F2B, s0  }
0xbe: {  	[sflag:s0] =	ssyncadd.remote.s32 $0x1  }
0xbf: {  	_ =	sfence.sel $0xFFFF  }
0xc0: {  	[dreg:$0x0] =	wrdreg $0xFFFFFFFF;
	(pc) =	sbr.abs _section_cstart, $3  }
0xc1: {  	[dreg:$0x1] =	wrdreg $0xFFFFFFFF  }
0xc2: {  	_ =	task.clear_ibuf [dreg:s7], $0x2FFFF;
	_ =	strace $0x9FFFFFFF  }
0xc3: {  	(tm) =	ssettm $0x7FFFFFFF  }
tec
execute0_lowered:
.L_overlay_start_1:
0x0: {  	(tag) =	ssettag $0x1  }
0x1: {  	s0 =	rddreg [dreg:$0x0]  }
0x2: {  	s3 =	rddreg [dreg:$0x2];
	s12 =	simm.s32 $0x0  }
0x3: {  	s10 =	stileid.u32;
	s1 =	srdreg.scid;
	s13 =	simm.s32 $0x9  }
0x4: {  	s14 =	simm.s32 $0x1400;
	s15 =	simm.s32 $0x40;
	s16 =	simm.s32 $0x2800  }
0x5: {  	s18 =	simm.s32 $0x4800;
	s19 =	simm.s32 $0x1;
	s20 =	simm.s32 $0x100  }
0x6: {  	s21 =	simm.s32 $0x6800;
	s28 =	simm.s32 $0x1500;
	s29 =	simm.s32 $0x5  }
0x7: {  	s30 =	simm.s32 $0x200;
	s31 =	simm.s32 $0x4;
	s11 =	simm.s32 $0x8  }
0x8: {  	[smem:$0x7FF] =	sst s12;
	s2 =	smul.u32 $0x14000, s10;
	s1 =	sand.u32 $0x1, s1  }
0x9: {  	s5 =	sadd.s32 $0x21600, s0;
	s6 =	sadd.s32 $0xD600, s0;
	s9 =	smul.u32 $0x50000, s10  }
0xa: {  	s25 =	sshll.u32 s10, $0x6;
	_ =	strace $0x8000004D;
	s4 =	smul.u32 $0x140000, s1  }
0xb: {  	s22 =	ssub.s32 $0x2, s1;
	s1 =	sshll.u32 s1, $0x4;
	s7 =	sshrl.u32 s2, $0x3  }
0xc: {  	s8 =	sshrl.u32 s22, $0x1;
	s1 =	sor.u32 s10, s1;
	s24 =	sshrl.u32 s9, $0x2  }
0xd: {  	s10 =	simm.s32 $0x7;
	s7 =	sadd.s32 s7, s0;
	s2 =	sadd.s32 s2, s4  }
0xe: {  	s23 =	ssub.s32 s22, s8;
	s4 =	sadd.s32 s24, s3;
	s8 =	sor.u32 $0x1C09, s25  }
0xf: {  	s9 =	smul.u32 $0x5000, s1;
	s22 =	simm.s32 $0x2;
	s24 =	simm.s32 $0x180  }
0x10: {  	s25 =	simm.s32 $0x8800;
	s1 =	simm.s32 $0x6;
	s2 =	sshrl.u32 s2, $0x3  }
.Ltmp0:
0x11: {  	s7 =	sadd.s32 $0x49600, s7;
	[dreg:$0x6] =	wrdreg s8;
	(pc) =	sbr.rel .LBB2_1-.Ltmp0, $4  }
0x12: {  	s26 =	smax.u32 s23, $0x1;
	s4 =	sshrl.u32 s4, $0x3;
	[dreg:$0x5] =	wrdreg s7  }
0x13: {  	s23 =	simm.s32 $0x1480;
	s0 =	sadd.s32 s2, s0;
	[dreg:$0x8] =	wrdreg s26  }
0x14: {  	s26 =	simm.s32 $0x3;
	[dreg:$0x9] =	wrdreg s4;
	s0 =	sadd.s32 $0x71600, s0  }
0x15: {  	s7 =	simm.s32 $0x280;
	[dreg:$0x7] =	wrdreg s0;
	s0 =	simm.s32 $0x1580  }
.LBB2_6:
0x16: {  	[bflag:$0x0] =	sbarrier.arrive $0xFFFF  }
0x17: {  	s8 =	rddreg [dreg:$0x6]  }
0x18: {  	s2 =	rddreg [dreg:$0x7]  }
0x19: {  	s4 =	rddreg [dreg:$0x9]  }
0x1a: {  	[hbm:s2], [sflag:s8] =	dma.local [spmem:s4], $0x2800  }
0x1b: {  	_ =	swait.ge [sflag:s13], $0x2800  }
0x1c: {  	s12 =	rddreg [dreg:$0x4]  }
0x1d: {  	s17 =	rddreg [dreg:$0x8];
	s12 =	sadd.s32 $0x1, s12  }
0x1e: {  	p0 =	sne.s32 s12, s17  }
.Ltmp1:
0x1f: {  	_ = 	snop;
	(pc) =	sbr.rel @!p0 .LBB2_7-.Ltmp1, $3  }
0x20: {  	_ =	sdelay $0x1  }
0x21: {  	[sflag:s13] =	ssyncset.done $0x0  }
0x22: {  	[sflag:s13] =	ssyncadd.s32 $0xFFFFD800  }
.LBB2_1:
0x23: {  	[dreg:$0x4] =	wrdreg s12  }
0x24: {  	s2 =	rddreg [dreg:$0x5]  }
0x25: {  	[spmem:s4], [sflag:s8] =	dma.local [hbm:s2], $0x2800  }
.Ltmp2:
0x26: {  	_ =	swait.ge [sflag:s13], $0x2800;
	(pc) =	sbr.rel .LBB2_2-.Ltmp2, $4  }
0x27: {  	[sflag:s13] =	ssyncset.done $0x0  }
0x28: {  	[sflag:s13] =	ssyncadd.s32 $0xFFFFD800  }
0x29: {  	[bflag:$0x0] =	sbarrier.arrive $0xFFFF  }
0x2a: {  	s8 =	simm.s32 $0x0  }
.LBB2_5:
0x2b: {  	_ =	swait.ge [sflag:s31], $0x2000  }
0x2c: {  	[sflag:s31] =	ssyncset.done $0x0  }
0x2d: {  	[sflag:s31] =	ssyncadd.s32 $0xFFFFE000  }
0x2e: {  	[spmem:s3] =	stream.indirect.scatter.add.f32 [tilespmem:s25], [sflag:$0x8], $0x80, s2, s15, $0xb8;
	[tilespmem:$0x1E800] =	vst v63  }
0x2f: {  	_ =	swait.ge [sflag:s1], $0x2000  }
0x30: {  	[sflag:s1] =	ssyncset.done $0x0  }
0x31: {  	s8 =	sadd.s32 $0x1, s8;
	[sflag:s1] =	ssyncadd.s32 $0xFFFFE000  }
0x32: {  	p0 =	sne.s32 s8, $0x4;
	_ =	swait.ge [sflag:s10], $0x2000  }
.Ltmp3:
0x33: {  	[sflag:s10] =	ssyncset.done $0x0;
	(pc) =	sbr.rel @!p0 .LBB2_6-.Ltmp3, $4  }
0x34: {  	[sflag:s10] =	ssyncadd.s32 $0xFFFFE000  }
0x35: {  	_ =	swait.ge [sflag:s11], $0x2000  }
0x36: {  	[sflag:s11] =	ssyncset.done $0x0  }
0x37: {  	[sflag:s11] =	ssyncadd.s32 $0xFFFFE000  }
.LBB2_2:
0x38: {  	s2 =	smul.u32 $0x1400, s8;
	_ =	sdelay $0x1  }
0x39: {  	s2 =	sadd.s32 s9, s2  }
0x3a: {  	s4 =	rddreg [dreg:$0x1];
	s2 =	sshrl.u32 s2, $0x3  }
0x3b: {  	s12 =	simm.s32 $0x0;
	s4 =	sadd.s32 s4, s2  }
0x3c: {  	[tilespmem:s12], [sflag:$0x9] =	stream.linear.gather [hbm4b:s4+s12], $0x1400, $0x38;
	[tilespmem:$0x1E800] =	vst v63  }
0x3d: {  	_ =	swait.ge [sflag:s13], $0x1400  }
0x3e: {  	[sflag:s13] =	ssyncset.done $0x0  }
0x3f: {  	s2 =	sadd.s32 s6, s2;
	[sflag:s13] =	ssyncadd.s32 $0xFFFFEC00  }
0x40: {  	[tilespmem:s14], [sflag:$0x9] =	stream.linear.gather [hbm4b:s2+s12], $0x1400, $0x38;
	[tilespmem:$0x1E800] =	vst v63  }
0x41: {  	_ =	swait.ge [sflag:s13], $0x1400  }
0x42: {  	[sflag:s13] =	ssyncset.done $0x0  }
0x43: {  	[sflag:s13] =	ssyncadd.s32 $0xFFFFEC00  }
0x44: {  	[tilespmem:s16], [sflag:$0x1] =	stream.indirect.gather [hbm4b:s5+s15], $0x80, s12, s15, $0xb8;
	[tilespmem:$0x1E800] =	vst v63  }
0x45: {  	s17 =	simm.s32 $0x80  }
0x46: {  	[tilespmem:s18], [sflag:$0x2] =	stream.indirect.gather [hbm4b:s5+s15], $0x80, s17, s15, $0xb8;
	[tilespmem:$0x1E800] =	vst v63  }
0x47: {  	_ =	swait.ge [sflag:s19], $0x2000  }
0x48: {  	[sflag:s19] =	ssyncset.done $0x0  }
0x49: {  	[sflag:s19] =	ssyncadd.s32 $0xFFFFE000  }
0x4a: {  	[spmem:s3] =	stream.indirect.scatter.add.f32 [tilespmem:s16], [sflag:$0x5], $0x80, s14, s15, $0xb8;
	[tilespmem:$0x1E800] =	vst v63  }
0x4b: {  	_ = 	snop  }
0x4c: {  	[tilespmem:s21], [sflag:$0x3] =	stream.indirect.gather [hbm4b:s5+s15], $0x80, s20, s15, $0xb8;
	[tilespmem:$0x1E800] =	vst v63  }
0x4d: {  	_ =	swait.ge [sflag:s22], $0x2000  }
0x4e: {  	[sflag:s22] =	ssyncset.done $0x0  }
0x4f: {  	[sflag:s22] =	ssyncadd.s32 $0xFFFFE000  }
0x50: {  	[spmem:s3] =	stream.indirect.scatter.add.f32 [tilespmem:s18], [sflag:$0x6], $0x80, s23, s15, $0xb8;
	[tilespmem:$0x1E800] =	vst v63  }
0x51: {  	_ = 	snop  }
0x52: {  	[tilespmem:s25], [sflag:$0x4] =	stream.indirect.gather [hbm4b:s5+s15], $0x80, s24, s15, $0xb8;
	[tilespmem:$0x1E800] =	vst v63  }
0x53: {  	_ =	swait.ge [sflag:s26], $0x2000  }
0x54: {  	[sflag:s26] =	ssyncset.done $0x0  }
0x55: {  	[sflag:s26] =	ssyncadd.s32 $0xFFFFE000  }
0x56: {  	[spmem:s3] =	stream.indirect.scatter.add.f32 [tilespmem:s21], [sflag:$0x7], $0x80, s28, s15, $0xb8;
	[tilespmem:$0x1E800] =	vst v63  }
0x57: {  	_ =	swait.ge [sflag:s29], $0x2000  }
0x58: {  	[sflag:s29] =	ssyncset.done $0x0  }
0x59: {  	[sflag:s29] =	ssyncadd.s32 $0xFFFFE000  }
0x5a: {  	[tilespmem:s16], [sflag:$0x1] =	stream.indirect.gather [hbm4b:s5+s15], $0x80, s30, s15, $0xb8;
	[tilespmem:$0x1E800] =	vst v63  }
0x5b: {  	_ =	swait.ge [sflag:s31], $0x2000  }
0x5c: {  	[sflag:s31] =	ssyncset.done $0x0  }
0x5d: {  	[sflag:s31] =	ssyncadd.s32 $0xFFFFE000  }
0x5e: {  	[spmem:s3] =	stream.indirect.scatter.add.f32 [tilespmem:s25], [sflag:$0x8], $0x80, s0, s15, $0xb8;
	[tilespmem:$0x1E800] =	vst v63  }
0x5f: {  	_ =	swait.ge [sflag:s1], $0x2000  }
0x60: {  	[sflag:s1] =	ssyncset.done $0x0  }
0x61: {  	[sflag:s1] =	ssyncadd.s32 $0xFFFFE000  }
0x62: {  	[tilespmem:s18], [sflag:$0x2] =	stream.indirect.gather [hbm4b:s5+s15], $0x80, s7, s15, $0xb8;
	[tilespmem:$0x1E800] =	vst v63  }
.LBB2_3:
0x63: {  	_ =	swait.ge [sflag:s19], $0x2000  }
0x64: {  	s4 =	sshra.s32 s12, $0x2;
	[sflag:s19] =	ssyncset.done $0x0  }
0x65: {  	s2 =	sadd.s32 $0x1600, s4;
	[sflag:s19] =	ssyncadd.s32 $0xFFFFE000  }
0x66: {  	[spmem:s3] =	stream.indirect.scatter.add.f32 [tilespmem:s16], [sflag:$0x5], $0x80, s2, s15, $0xb8;
	[tilespmem:$0x1E800] =	vst v63  }
0x67: {  	_ =	swait.ge [sflag:s10], $0x2000  }
0x68: {  	[sflag:s10] =	ssyncset.done $0x0  }
0x69: {  	s17 =	sadd.s32 $0x300, s4;
	[sflag:s10] =	ssyncadd.s32 $0xFFFFE000  }
0x6a: {  	[tilespmem:s21], [sflag:$0x3] =	stream.indirect.gather [hbm4b:s5+s15], $0x80, s17, s15, $0xb8;
	[tilespmem:$0x1E800] =	vst v63  }
0x6b: {  	_ =	swait.ge [sflag:s22], $0x2000  }
0x6c: {  	[sflag:s22] =	ssyncset.done $0x0  }
0x6d: {  	s17 =	sadd.s32 $0x1680, s4;
	[sflag:s22] =	ssyncadd.s32 $0xFFFFE000  }
0x6e: {  	[spmem:s3] =	stream.indirect.scatter.add.f32 [tilespmem:s18], [sflag:$0x6], $0x80, s17, s15, $0xb8;
	[tilespmem:$0x1E800] =	vst v63  }
0x6f: {  	_ =	swait.ge [sflag:s11], $0x2000  }
0x70: {  	[sflag:s11] =	ssyncset.done $0x0  }
0x71: {  	s17 =	sadd.s32 $0x380, s4;
	[sflag:s11] =	ssyncadd.s32 $0xFFFFE000  }
0x72: {  	[tilespmem:s25], [sflag:$0x4] =	stream.indirect.gather [hbm4b:s5+s15], $0x80, s17, s15, $0xb8;
	[tilespmem:$0x1E800] =	vst v63  }
0x73: {  	_ =	swait.ge [sflag:s26], $0x2000  }
0x74: {  	p0 =	seq.s32 s12, $0x4000;
	[sflag:s26] =	ssyncset.done $0x0  }
.Ltmp4:
0x75: {  	s17 =	sadd.s32 $0x1700, s4;
	[sflag:s26] =	ssyncadd.s32 $0xFFFFE000;
	(pc) =	sbr.rel @p0 .LBB2_5-.Ltmp4, $4  }
0x76: {  	[spmem:s3] =	stream.indirect.scatter.add.f32 [tilespmem:s21], [sflag:$0x7], $0x80, s17, s15, $0xb8;
	[tilespmem:$0x1E800] =	vst v63  }
0x77: {  	_ =	swait.ge [sflag:s29], $0x2000  }
0x78: {  	[sflag:s29] =	ssyncset.done $0x0  }
0x79: {  	s2 =	sadd.s32 $0x1780, s4;
	[sflag:s29] =	ssyncadd.s32 $0xFFFFE000  }
0x7a: {  	s17 =	sadd.s32 $0x400, s4  }
0x7b: {  	[tilespmem:s16], [sflag:$0x1] =	stream.indirect.gather [hbm4b:s5+s15], $0x80, s17, s15, $0xb8;
	[tilespmem:$0x1E800] =	vst v63  }
0x7c: {  	_ =	swait.ge [sflag:s31], $0x2000  }
0x7d: {  	[sflag:s31] =	ssyncset.done $0x0  }
0x7e: {  	[sflag:s31] =	ssyncadd.s32 $0xFFFFE000  }
0x7f: {  	[spmem:s3] =	stream.indirect.scatter.add.f32 [tilespmem:s25], [sflag:$0x8], $0x80, s2, s15, $0xb8;
	[tilespmem:$0x1E800] =	vst v63  }
.Ltmp5:
0x80: {  	_ = 	snop;
	(pc) =	sbr.rel .LBB2_3-.Ltmp5, $4  }
0x81: {  	_ =	swait.ge [sflag:s1], $0x2000  }
0x82: {  	[sflag:s1] =	ssyncset.done $0x0  }
0x83: {  	s12 =	sadd.s32 $0x800, s12;
	s17 =	sadd.s32 $0x480, s4;
	[sflag:s1] =	ssyncadd.s32 $0xFFFFE000  }
0x84: {  	[tilespmem:s18], [sflag:$0x2] =	stream.indirect.gather [hbm4b:s5+s15], $0x80, s17, s15, $0xb8;
	[tilespmem:$0x1E800] =	vst v63  }
.LBB2_7:
0x85: {  	_ =	sfence.sel $0x180000  }
0x86: {  	[bflag:$0x0] =	sbarrier.arrive $0xFFFF  }
0x87: {  	_ =	strace $0x9000004D  }
0x88: {  	s0 =	stileid.u32;
	[bflag:$0x2] =	sbarrier.arrive $0xFFFF  }
0x89: {  	p0 =	sne.s32 s0, $0x0;
	s0 =	rddreg [dreg:$0x3]  }
0x8a: {  	s0 =	sadd.s32 @!p0 $0x100000, s0  }
0x8b: {  	[sflag:s0] =	ssyncadd.tile.s32 @!p0 $0x1;
	_ =	shalt  }
.Lfunc_end2:
_tile_overlayer_lowered:
.L_overlay_start_2:
0x8c: {  	(tag) =	ssettag $0x2  }
0x8d: {  	s0 =	rddreg [dreg:$0x0];
	s2 =	stileid.u32  }
0x8e: {  	s1 =	rddreg [dreg:$0x1];
	p0 =	sne.s32 s2, $0x0  }
0x8f: {  	s3 =	rddreg [dreg:$0x2];
	[bflag:$0x3] =	sbarrier.arrive $0xFFFF;
	s2 =	simm.s32 @!p0 $0x1C09  }
0x90: {  	[timem:s3], [sflag:s2] =	dma.local @!p0 [hbm:s0], s1  }
0x91: {  	s0 =	simm.s32 @!p0 $0x9  }
0x92: {  	_ =	swait.ge @!p0 [sflag:s0], s1  }
0x93: {  	s1 =	ssub.s32 @!p0 $0x0, s1;
	[sflag:s0] =	ssyncset.done @!p0 $0x0  }
0x94: {  	[sflag:s0] =	ssyncadd.s32 @!p0 s1  }
0x95: {  	[bflag:$0x3] =	sbarrier.arrive $0xFFFF  }
0x96: {  	_ =	shalt  }

// kernel: kernel.8.cloned.1.call-start
scs
__scs_entry_jumppad:
0x0: {  	(pc) =	sbr.rel $0x88, $3  }
0x1: {  	(tag) =	ssettag $0x0;
	lr =	simm.s32 $0x1  }
0x2: {  	[smem:$0x3F9B] =	sst lr;
	_ =	strace $0xD0000000  }
0x3: {  	_ = 	snop  }
0x4: {  	_ = 	snop  }
0x5: {  	_ = 	snop  }
0x6: {  	_ = 	snop  }
0x7: {  	_ = 	snop  }
__scs_overlays_trampoline_lowered:
0x8: {  	[smem:$0x3FAA] =	sst s0  }
0x9: {  	[smem:$0x3FAB] =	sst s1  }
0xa: {  	[smem:$0x3FAC] =	sst s2  }
0xb: {  	[smem:$0x3FAD] =	sst s3  }
0xc: {  	[smem:$0x3FAE] =	sst s4  }
0xd: {  	[smem:$0x3FAF] =	sst s5  }
0xe: {  	[smem:$0x3FB0] =	sst s6  }
0xf: {  	[smem:$0x3FB1] =	sst s7  }
0x10: {  	[smem:$0x3FB2] =	sst s8  }
0x11: {  	[smem:$0x3FB3] =	sst s9;
	s0 =	simm.s32 @!p0 $0x0  }
0x12: {  	s1 =	sld [smem:$0x3F99];
	s0 =	simm.s32 @p0 $0x1  }
0x13: {  	[smem:$0x3FB4] =	sst s0;
	s0 =	simm.s32 @!p1 $0x0  }
0x14: {  	s2 =	sld [smem:$0x3F98];
	s0 =	simm.s32 @p1 $0x1  }
0x15: {  	[smem:$0x3FB5] =	sst s0;
	s0 =	simm.s32 @!p2 $0x0  }
0x16: {  	s3 =	sld [smem:$0x3FDB];
	s0 =	simm.s32 @p2 $0x1  }
0x17: {  	s4 =	simm.s32 $0x1BF5;
	[smem:$0x3FB7] =	sst s0  }
0x18: {  	s0 =	sld [smem:$0x3F9A];
	_ =	swait.ge [sflag:s4], $0x0  }
0x19: {  	s7 =	sld [smem:$0x3F9B]  }
0x1a: {  	s8 =	sadd.s32 $0xFFFFE003, lr  }
0x1b: {  	s9 =	sadd.s32 $0xFFFFFEF7, lr;
	s5 =	simm.s32 $0xFFFFFFFF;
	p2 =	slt.u32 s8, $0xFFFFF086  }
0x1c: {  	p1 =	slt.u32 s9, $0xF7A;
	s5 =	simm.s32 @!p2 $0x0  }
0x1d: {  	s5 =	simm.s32 @p1 $0x1;
	p0 =	seq.s32 s7, s2  }
0x1e: {  	s7 =	smul.u32 @!p0 $0xF7A, s2;
	p2 =	seq.s32 @!p0 s5, $0x0  }
0x1f: {  	s9 =	smul.u32 $0xF7A, s1;
	s8 =	simm.s32 @!p0 $0x1BF5;
	p2 =	por !p2, p0  }
0x20: {  	[sflag:s8] =	ssyncset.s32 @!p0 $0xFFFFF086;
	s6 =	sadd.s32 @!p0 s3, s7;
	s7 =	simm.s32 @!p0 $0x108  }
0x21: {  	s3 =	sadd.s32 s3, s9;
	s6 =	sadd.s32 @!p0 $0x88, s6;
	s7 =	simm.s32 @p2 $0x1082  }
0x22: {  	[simem:s7], [sflag:s8] =	dma.local @!p0 [hbm:s6], $0xF7A  }
0x23: {  	s9 =	sor.u32 $0xD0000000, s2;
	s6 =	simm.s32 $0x108;
	_ =	swait.ge @!p0 [sflag:s8], $0x0  }
0x24: {  	s3 =	sadd.s32 $0x88, s3;
	s6 =	simm.s32 @!p1 $0x1082;
	[sflag:s4] =	ssyncset.s32 $0xFFFFF086  }
0x25: {  	[simem:s6], [sflag:s4] =	dma.local [hbm:s3], $0xF7A  }
0x26: {  	[smem:$0x3F9B] =	sst s1;
	(tag) =	ssettag s2;
	_ =	strace s9  }
0x27: {  	s1 =	sld [smem:$0x3FAB]  }
0x28: {  	s2 =	sld [smem:$0x3FAC]  }
0x29: {  	s4 =	sld [smem:$0x3FAE]  }
0x2a: {  	p0 =	seq.s32 s5, $0x0;
	s5 =	sld [smem:$0x3FAF]  }
0x2b: {  	s6 =	sld [smem:$0x3FB0]  }
0x2c: {  	s7 =	sld [smem:$0x3FB1]  }
0x2d: {  	s3 =	simm.s32 $0x108;
	s8 =	sld [smem:$0x3FB2]  }
0x2e: {  	s3 =	simm.s32 @!p0 $0x1082;
	s9 =	sld [smem:$0x3FB3]  }
0x2f: {  	lr =	sadd.s32 s0, s3;
	s0 =	sld [smem:$0x3FAA]  }
0x30: {  	s3 =	sld [smem:$0x3FAD]  }
0x31: {  	[smem:$0x3FB6] =	sst s10  }
0x32: {  	s10 =	sld [smem:$0x3FB4];
	_ =	sdelay $0x3  }
0x33: {  	p0 =	seq.s32 s10, $0x1;
	s10 =	sld [smem:$0x3FB6];
	_ =	sdelay $0x3  }
0x34: {  	[smem:$0x3FB6] =	sst s10  }
0x35: {  	s10 =	sld [smem:$0x3FB5];
	_ =	sdelay $0x3  }
0x36: {  	p1 =	seq.s32 s10, $0x1;
	s10 =	sld [smem:$0x3FB6];
	_ =	sdelay $0x3  }
0x37: {  	[smem:$0x3FB6] =	sst s10  }
0x38: {  	s10 =	sld [smem:$0x3FB7]  }
0x39: {  	_ = 	snop;
	(pc) =	sbr.ind lr, $3  }
0x3a: {  	_ = 	snop  }
0x3b: {  	_ = 	snop  }
0x3c: {  	p2 =	seq.s32 s10, $0x1;
	s10 =	sld [smem:$0x3FB6]  }
0x3d: {  	_ =	shalt  }
0x3e: {  	_ =	shalt  }
0x3f: {  	_ =	shalt  }
0x40: {  	_ =	shalt  }
0x41: {  	_ =	shalt  }
0x42: {  	_ =	shalt  }
0x43: {  	_ =	shalt  }
0x44: {  	_ =	shalt  }
0x45: {  	_ =	shalt  }
0x46: {  	_ =	shalt  }
0x47: {  	_ =	shalt  }
0x48: {  	_ =	shalt  }
0x49: {  	_ =	shalt  }
0x4a: {  	_ =	shalt  }
0x4b: {  	_ =	shalt  }
0x4c: {  	_ =	shalt  }
0x4d: {  	_ =	shalt  }
0x4e: {  	_ =	shalt  }
0x4f: {  	_ =	shalt  }
0x50: {  	_ =	shalt  }
0x51: {  	_ =	shalt  }
0x52: {  	_ =	shalt  }
0x53: {  	_ =	shalt  }
0x54: {  	_ =	shalt  }
0x55: {  	_ =	shalt  }
0x56: {  	_ =	shalt  }
0x57: {  	_ =	shalt  }
0x58: {  	_ =	shalt  }
0x59: {  	_ =	shalt  }
0x5a: {  	_ =	shalt  }
0x5b: {  	_ =	shalt  }
0x5c: {  	_ =	shalt  }
0x5d: {  	_ =	shalt  }
0x5e: {  	_ =	shalt  }
0x5f: {  	_ =	shalt  }
0x60: {  	_ =	shalt  }
0x61: {  	_ =	shalt  }
0x62: {  	_ =	shalt  }
0x63: {  	_ =	shalt  }
0x64: {  	_ =	shalt  }
0x65: {  	_ =	shalt  }
0x66: {  	_ =	shalt  }
0x67: {  	_ =	shalt  }
0x68: {  	_ =	shalt  }
0x69: {  	_ =	shalt  }
0x6a: {  	_ =	shalt  }
0x6b: {  	_ =	shalt  }
0x6c: {  	_ =	shalt  }
0x6d: {  	_ =	shalt  }
0x6e: {  	_ =	shalt  }
0x6f: {  	_ =	shalt  }
0x70: {  	_ =	shalt  }
0x71: {  	_ =	shalt  }
0x72: {  	_ =	shalt  }
0x73: {  	_ =	shalt  }
0x74: {  	_ =	shalt  }
0x75: {  	_ =	shalt  }
0x76: {  	_ =	shalt  }
0x77: {  	_ =	shalt  }
0x78: {  	_ =	shalt  }
0x79: {  	_ =	shalt  }
0x7a: {  	_ =	shalt  }
0x7b: {  	_ =	shalt  }
0x7c: {  	_ =	shalt  }
0x7d: {  	_ =	shalt  }
0x7e: {  	_ =	shalt  }
0x7f: {  	_ =	shalt  }
0x80: {  	_ =	shalt  }
0x81: {  	_ =	shalt  }
0x82: {  	_ =	shalt  }
0x83: {  	_ =	shalt  }
0x84: {  	_ =	shalt  }
0x85: {  	_ =	shalt  }
0x86: {  	_ =	shalt  }
0x87: {  	_ =	shalt  }
.Lfunc_end0:
.L_simem_size_0:
called_computation_lowered:
.L_overlay_start_0:
0x88: {  	s2 =	sld [smem:$0x3FD9]  }
0x89: {  	s3 =	sld [smem:$0x3FFE];
	_ =	sdelay $0x1  }
0x8a: {  	s1 =	srdreg.scid  }
0x8b: {  	s0 =	sand.u32 $0x1, s1  }
0x8c: {  	s16 =	sshll.u32 s0, $0xA;
	s2 =	sadd.s32 s3, s2  }
0x8d: {  	s2 =	sadd.s32 s2, s16  }
0x8e: {  	[smem:$0x3FC2] =	sst s2  }
0x8f: {  	_ = 	snop  }
0x90: {  	(tm) =	ssettm $0x1  }
0x91: {  	s17 =	sld [smem:$0x3FFB];
	_ =	sdelay $0x3  }
0x92: {  	_ =	strace s17  }
0x93: {  	s2 =	sld [smem:$0x3FFC];
	_ =	sdelay $0x3  }
0x94: {  	_ =	strace s2  }
0x95: {  	s2 =	sld [smem:$0x3FFD];
	_ =	sdelay $0x3  }
0x96: {  	_ =	strace s2  }
0x97: {  	_ =	strace $0x8FFFFFFF  }
0x98: {  	s18 =	sld [smem:$0x3FDB];
	_ =	sdelay $0x1  }
0x99: {  	s19 =	simm.s32 $_scs_section_size  }
0x9a: {  	s4 =	simm.s32 $_size__tile_overlayer_lowered;
	s5 =	simm.s32 $_tile_overlayer_lowered  }
0x9b: {  	s22 =	simm.s32 $0x1BFF;
	s21 =	sshll.u32 s5, $0x1;
	s2 =	sadd.s32 s19, s18  }
0x9c: {  	s6 =	simm.s32 $0x0;
	s20 =	sshll.u32 s4, $0x1;
	s4 =	sadd.s32 s21, s2  }
0x9d: {  	[timem:s6], [sflag:s22] =	dma.local [hbm:s4], s20  }
0x9e: {  	_ =	swait.ge [sflag:s22], s20  }
0x9f: {  	s3 =	ssub.s32 $0x0, s20;
	[sflag:s22] =	ssyncset.done $0x0  }
0xa0: {  	[sflag:s22] =	ssyncadd.s32 s3;
	_ =	sdelay $0x1  }
0xa1: {  	s23 =	simm.s32 $0x1B8B  }
0xa2: {  	_ =	swait.ge [sflag:s23], $0x1  }
0xa3: {  	[sflag:s23] =	ssyncset.done $0x0  }
0xa4: {  	s25 =	simm.s32 $0x1B8E;
	s24 =	sld [smem:$0x3FFE];
	[sflag:s23] =	ssyncadd.s32 $0xFFFFFFFF  }
0xa5: {  	s26 =	simm.s32 $execute0_lowered;
	[smem:$0x3FD2] =	sst s25  }
0xa6: {  	s4 =	sshll.u32 s26, $0x1;
	_ =	strace $0x80000046;
	[dreg:$0x1] =	wrdreg $0xFFFFFFFF  }
0xa7: {  	s28 =	simm.s32 $_size_execute0_lowered;
	s2 =	sadd.s32 s2, s4;
	[dreg:$0x0] =	wrdreg $0x0  }
0xa8: {  	s4 =	sshll.u32 s28, $0x1;
	[dreg:$0x2] =	wrdreg s2  }
0xa9: {  	[dreg:$0x3] =	wrdreg s4  }
0xaa: {  	[dreg:$0x4] =	wrdreg $0xC0  }
0xab: {  	_ =	task [dreg:s6], $0x5FFFF  }
0xac: {  	[dreg:$0x1] =	wrdreg $0xFFFFFFFF  }
0xad: {  	[dreg:$0x0] =	wrdreg $0x60  }
0xae: {  	[dreg:$0x2] =	wrdreg s24  }
0xaf: {  	[dreg:$0x3] =	wrdreg $0x28800  }
0xb0: {  	[dreg:$0x4] =	wrdreg $0x9  }
0xb1: {  	_ =	task.clear_ibuf [dreg:s6], $0x5FFFF;
	_ =	strace $0x90000046  }
0xb2: {  	s29 =	simm.s32 $0x9;
	_ =	strace $0x80000048  }
0xb3: {  	_ =	swait.ge [sflag:s29], $0x1  }
0xb4: {  	[sflag:s29] =	ssyncadd.s32 $0xFFFFFFFF  }
0xb5: {  	_ =	strace $0x90000048  }
0xb6: {  	_ =	sfence  }
0xb7: {  	s30 =	sld [smem:$0x0];
	_ =	sdelay $0x2  }
0xb8: {  	s31 =	sshll.u32 s1, $0xD;
	s1 =	sshrl.u32 s1, $0x2  }
0xb9: {  	s3 =	sand.u32 $0x4000, s31;
	s1 =	sadd.s32 s1, s30  }
0xba: {  	s0 =	sor.u32 s3, s0;
	s1 =	sshll.u32 s1, $0x11  }
0xbb: {  	s0 =	sor.u32 s1, s0  }
0xbc: {  	s0 =	sadd.s32 $0x8F2B, s0  }
0xbd: {  	[sflag:s0] =	ssyncadd.remote.s32 $0x1  }
0xbe: {  	_ =	sfence.sel $0xFFFF  }
0xbf: {  	[dreg:$0x0] =	wrdreg $0xFFFFFFFF;
	(pc) =	sbr.abs _section_cstart, $3  }
0xc0: {  	[dreg:$0x1] =	wrdreg $0xFFFFFFFF  }
0xc1: {  	_ =	task.clear_ibuf [dreg:s6], $0x2FFFF;
	_ =	strace $0x9FFFFFFF  }
0xc2: {  	(tm) =	ssettm $0x7FFFFFFF  }
0xc3: {  	_ =	shalt  }
tec
execute0_lowered:
.L_overlay_start_1:
0x0: {  	(tag) =	ssettag $0x1  }
0x1: {  	s0 =	srdreg.scid;
	s5 =	rddreg [dreg:$0x0]  }
0x2: {  	s2 =	rddreg [dreg:$0x1];
	s3 =	simm.s32 $0x0;
	s12 =	simm.s32 $0x2800  }
0x3: {  	s13 =	simm.s32 $0x100;
	s14 =	simm.s32 $0x180;
	s15 =	simm.s32 $0x1  }
0x4: {  	s16 =	simm.s32 $0x2;
	s17 =	simm.s32 $0x3;
	s18 =	simm.s32 $0x4  }
0x5: {  	s19 =	simm.s32 $0x20;
	s4 =	sand.u32 $0x1, s0;
	s0 =	stileid.u32  }
0x6: {  	s20 =	simm.s32 $0x10;
	s21 =	simm.s32 $0x0;
	s7 =	smul.u32 $0x500, s0  }
0x7: {  	[smem:$0x7FF] =	sst s3;
	s1 =	sshll.u32 s4, $0x4;
	s8 =	smul.u32 $0x280, s0  }
0x8: {  	s9 =	sshll.u32 s4, $0x7;
	s4 =	ssub.s32 $0x2, s4;
	s1 =	sor.u32 s0, s1  }
0x9: {  	s31 =	sshll.u32 s0, $0x6;
	s30 =	sshrl.u32 s4, $0x1;
	s6 =	smul.u32 $0x500, s1  }
0xa: {  	s1 =	rddreg [dreg:$0x2];
	_ =	strace $0x80000047;
	s7 =	sor.u32 s9, s7  }
0xb: {  	s29 =	sshrl.u32 s8, $0x3;
	s10 =	ssub.s32 s4, s30;
	s11 =	sadd.s32 s8, s2  }
0xc: {  	s7 =	sshrl.u32 s7, $0x3;
	s9 =	sadd.s32 s29, s5;
	s8 =	smax.u32 s10, $0x1  }
0xd: {  	s10 =	simm.s32 $0x5;
	s6 =	sadd.s32 s6, s5;
	s7 =	sadd.s32 s7, s5  }
0xe: {  	s4 =	sadd.s32 $0xC600, s9;
	s5 =	sor.u32 $0x1C05, s31;
	s9 =	sshrl.u32 s11, $0x3  }
0xf: {  	v0 =	vimm.f32 $1.000000000e+00;
	s11 =	simm.s32 $0x80;
	s6 =	sadd.s32 $0x2600, s6;
	s7 =	sadd.s32 $0xCC00, s7  }
.LBB2_1:
0x10: {  	[spmem:s9], [sflag:s5] =	dma.local [hbm:s4], $0x50  }
0x11: {  	_ =	swait.ge [sflag:s10], $0x50  }
0x12: {  	[sflag:s10] =	ssyncset.done $0x0  }
0x13: {  	[sflag:s10] =	ssyncadd.s32 $0xFFFFFFB0  }
0x14: {  	[tilespmem:$0x2800] =	vst v0  }
0x15: {  	[tilespmem:$0x2810] =	vst v0  }
0x16: {  	[tilespmem:$0x2820] =	vst v0  }
0x17: {  	[tilespmem:$0x2830] =	vst v0  }
0x18: {  	[tilespmem:$0x2840] =	vst v0  }
0x19: {  	[tilespmem:$0x2850] =	vst v0  }
0x1a: {  	[tilespmem:$0x2860] =	vst v0  }
0x1b: {  	[tilespmem:$0x2870] =	vst v0  }
0x1c: {  	[tilespmem:s3], [sflag:$0x5] =	stream.linear.gather [hbm4b:s6+s3], $0x2800, $0x38;
	[tilespmem:$0x2B00] =	vst v63  }
0x1d: {  	_ =	swait.ge [sflag:s10], $0x2800  }
0x1e: {  	[sflag:s10] =	ssyncset.done $0x0  }
0x1f: {  	[sflag:s10] =	ssyncadd.s32 $0xFFFFD800  }
0x20: {  	[bflag:$0x0] =	sbarrier.arrive $0xFFFF  }
0x21: {  	[spmem:s2] =	stream.indirect.scatter.add.f32 [tilespmem:s12], [sflag:$0x1], $0x1, s3, s11, $0xb8;
	[tilespmem:$0x2B00] =	vst v63  }
0x22: {  	_ = 	snop  }
0x23: {  	[spmem:s2] =	stream.indirect.scatter.add.f32 [tilespmem:s12], [sflag:$0x2], $0x1, s11, s11, $0xb8;
	[tilespmem:$0x2B00] =	vst v63  }
0x24: {  	_ = 	snop  }
0x25: {  	[spmem:s2] =	stream.indirect.scatter.add.f32 [tilespmem:s12], [sflag:$0x3], $0x1, s13, s11, $0xb8;
	[tilespmem:$0x2B00] =	vst v63  }
0x26: {  	_ = 	snop  }
0x27: {  	[spmem:s2] =	stream.indirect.scatter.add.f32 [tilespmem:s12], [sflag:$0x4], $0x1, s14, s11, $0xb8;
	[tilespmem:$0x2B00] =	vst v63  }
0x28: {  	s22 =	simm.s32 $0x200  }
0x29: {  	[spmem:s2] =	stream.indirect.scatter.add.f32 [tilespmem:s12], [sflag:$0x1], $0x1, s22, s11, $0xb8;
	[tilespmem:$0x2B00] =	vst v63  }
0x2a: {  	_ =	swait.ge [sflag:s15], $0x80  }
0x2b: {  	[sflag:s15] =	ssyncset.done $0x0  }
0x2c: {  	s29 =	simm.s32 $0x280;
	[sflag:s15] =	ssyncadd.s32 $0xFFFFFF80  }
0x2d: {  	[spmem:s2] =	stream.indirect.scatter.add.f32 [tilespmem:s12], [sflag:$0x2], $0x1, s29, s11, $0xb8;
	[tilespmem:$0x2B00] =	vst v63  }
0x2e: {  	_ =	swait.ge [sflag:s16], $0x80  }
0x2f: {  	[sflag:s16] =	ssyncset.done $0x0  }
0x30: {  	s30 =	simm.s32 $0x300;
	[sflag:s16] =	ssyncadd.s32 $0xFFFFFF80  }
0x31: {  	[spmem:s2] =	stream.indirect.scatter.add.f32 [tilespmem:s12], [sflag:$0x3], $0x1, s30, s11, $0xb8;
	[tilespmem:$0x2B00] =	vst v63  }
0x32: {  	_ =	swait.ge [sflag:s17], $0x80  }
0x33: {  	[sflag:s17] =	ssyncset.done $0x0  }
0x34: {  	s31 =	simm.s32 $0x380;
	[sflag:s17] =	ssyncadd.s32 $0xFFFFFF80  }
0x35: {  	[spmem:s2] =	stream.indirect.scatter.add.f32 [tilespmem:s12], [sflag:$0x4], $0x1, s31, s11, $0xb8;
	[tilespmem:$0x2B00] =	vst v63  }
0x36: {  	_ =	swait.ge [sflag:s18], $0x80  }
0x37: {  	s23 =	simm.s32 $0xFFFF7800;
	s22 =	simm.s32 $0xFFFFDC00;
	[sflag:s18] =	ssyncset.done $0x0  }
.LBB2_2:
0x38: {  	s24 =	sadd.s32 $0x2800, s22  }
0x39: {  	[sflag:s18] =	ssyncadd.s32 $0xFFFFFF80;
	s25 =	smov.u32 s23;
	s26 =	sadd.s32 $0x800, s23  }
0x3a: {  	[spmem:s2] =	stream.indirect.scatter.add.f32 [tilespmem:s12], [sflag:$0x1], $0x1, s24, s11, $0xb8;
	[tilespmem:$0x2B00] =	vst v63  }
0x3b: {  	p0 =	sne.s32 s23, $0xFFFFF800;
	_ =	swait.ge [sflag:s15], $0x80  }
0x3c: {  	[sflag:s15] =	ssyncset.done $0x0  }
0x3d: {  	s23 =	sadd.s32 $0x2880, s22;
	[sflag:s15] =	ssyncadd.s32 $0xFFFFFF80  }
0x3e: {  	[spmem:s2] =	stream.indirect.scatter.add.f32 [tilespmem:s12], [sflag:$0x2], $0x1, s23, s11, $0xb8;
	[tilespmem:$0x2B00] =	vst v63  }
0x3f: {  	_ =	swait.ge [sflag:s16], $0x80  }
0x40: {  	[sflag:s16] =	ssyncset.done $0x0  }
0x41: {  	s23 =	sadd.s32 $0x2900, s22;
	[sflag:s16] =	ssyncadd.s32 $0xFFFFFF80  }
0x42: {  	[spmem:s2] =	stream.indirect.scatter.add.f32 [tilespmem:s12], [sflag:$0x3], $0x1, s23, s11, $0xb8;
	[tilespmem:$0x2B00] =	vst v63  }
0x43: {  	_ =	swait.ge [sflag:s17], $0x80  }
.Ltmp0:
0x44: {  	[sflag:s17] =	ssyncset.done $0x0;
	(pc) =	sbr.rel @p0 .LBB2_2-.Ltmp0, $4  }
0x45: {  	s22 =	sadd.s32 $0x2980, s22;
	[sflag:s17] =	ssyncadd.s32 $0xFFFFFF80  }
0x46: {  	[spmem:s2] =	stream.indirect.scatter.add.f32 [tilespmem:s12], [sflag:$0x4], $0x1, s22, s11, $0xb8;
	[tilespmem:$0x2B00] =	vst v63  }
0x47: {  	_ =	swait.ge [sflag:s18], $0x80  }
0x48: {  	s23 =	smov.u32 s26;
	s22 =	sshra.s32 s25, $0x2;
	[sflag:s18] =	ssyncset.done $0x0  }
0x49: {  	s23 =	sadd.s32 $0x2800, s22;
	[sflag:s18] =	ssyncadd.s32 $0xFFFFFF80  }
0x4a: {  	[spmem:s2] =	stream.indirect.scatter.add.f32 [tilespmem:s12], [sflag:$0x1], $0x1, s23, s11, $0xb8;
	[tilespmem:$0x2B00] =	vst v63  }
0x4b: {  	_ =	swait.ge [sflag:s15], $0x80  }
0x4c: {  	[sflag:s15] =	ssyncset.done $0x0  }
0x4d: {  	s29 =	sadd.s32 $0x2880, s22;
	[sflag:s15] =	ssyncadd.s32 $0xFFFFFF80  }
0x4e: {  	[spmem:s2] =	stream.indirect.scatter.add.f32 [tilespmem:s12], [sflag:$0x2], $0x1, s29, s11, $0xb8;
	[tilespmem:$0x2B00] =	vst v63  }
0x4f: {  	_ =	swait.ge [sflag:s16], $0x80  }
0x50: {  	[sflag:s16] =	ssyncset.done $0x0  }
0x51: {  	s30 =	sadd.s32 $0x2900, s22;
	[sflag:s16] =	ssyncadd.s32 $0xFFFFFF80  }
0x52: {  	[spmem:s2] =	stream.indirect.scatter.add.f32 [tilespmem:s12], [sflag:$0x3], $0x1, s30, s11, $0xb8;
	[tilespmem:$0x2B00] =	vst v63  }
0x53: {  	_ =	swait.ge [sflag:s17], $0x80  }
0x54: {  	[sflag:s17] =	ssyncset.done $0x0  }
0x55: {  	s31 =	sadd.s32 $0x2980, s22;
	[sflag:s17] =	ssyncadd.s32 $0xFFFFFF80  }
0x56: {  	[spmem:s2] =	stream.indirect.scatter.add.f32 [tilespmem:s12], [sflag:$0x4], $0x1, s31, s11, $0xb8;
	[tilespmem:$0x2B00] =	vst v63  }
0x57: {  	_ =	swait.ge [sflag:s18], $0x80  }
0x58: {  	[sflag:s18] =	ssyncset.done $0x0  }
0x59: {  	[sflag:s18] =	ssyncadd.s32 $0xFFFFFF80  }
0x5a: {  	_ =	swait.ge [sflag:s15], $0x80  }
0x5b: {  	[sflag:s15] =	ssyncset.done $0x0  }
0x5c: {  	[sflag:s15] =	ssyncadd.s32 $0xFFFFFF80  }
0x5d: {  	_ =	swait.ge [sflag:s16], $0x80  }
0x5e: {  	[sflag:s16] =	ssyncset.done $0x0  }
0x5f: {  	[sflag:s16] =	ssyncadd.s32 $0xFFFFFF80  }
0x60: {  	_ =	swait.ge [sflag:s17], $0x80  }
0x61: {  	[sflag:s17] =	ssyncset.done $0x0  }
0x62: {  	[sflag:s17] =	ssyncadd.s32 $0xFFFFFF80  }
0x63: {  	_ =	swait.ge [sflag:s18], $0x80  }
0x64: {  	s21 =	sadd.s32 $0x1, s21;
	[sflag:s18] =	ssyncset.done $0x0  }
0x65: {  	p0 =	sne.s32 s21, s8;
	[sflag:s18] =	ssyncadd.s32 $0xFFFFFF80  }
.Ltmp1:
0x66: {  	[bflag:$0x0] =	sbarrier.arrive $0xFFFF;
	(pc) =	sbr.rel @p0 .LBB2_1-.Ltmp1, $4  }
0x67: {  	[hbm:s7@s19], [sflag:s5] =	dma.strided [spmem:s9@s20], $0x50, s15, $0x10   }
0x68: {  	_ =	swait.ge [sflag:s10], $0x50  }
0x69: {  	[sflag:s10] =	ssyncset.done $0x0  }
0x6a: {  	[sflag:s10] =	ssyncadd.s32 $0xFFFFFFB0  }
0x6b: {  	_ =	sfence.sel $0x180000  }
0x6c: {  	[bflag:$0x0] =	sbarrier.arrive $0xFFFF  }
0x6d: {  	p0 =	sne.s32 s0, $0x0;
	_ =	strace $0x90000047  }
0x6e: {  	s0 =	sadd.s32 @!p0 $0x100000, s1;
	[bflag:$0x2] =	sbarrier.arrive $0xFFFF  }
0x6f: {  	[sflag:s0] =	ssyncadd.tile.s32 @!p0 $0x1;
	_ =	shalt  }
.Lfunc_end2:
_tile_overlayer_lowered:
.L_overlay_start_2:
0x70: {  	(tag) =	ssettag $0x2  }
0x71: {  	s0 =	rddreg [dreg:$0x0];
	s2 =	stileid.u32  }
0x72: {  	s1 =	rddreg [dreg:$0x1];
	p0 =	sne.s32 s2, $0x0  }
0x73: {  	s3 =	rddreg [dreg:$0x2];
	[bflag:$0x3] =	sbarrier.arrive $0xFFFF;
	s2 =	simm.s32 @!p0 $0x1C05  }
0x74: {  	[timem:s3], [sflag:s2] =	dma.local @!p0 [hbm:s0], s1  }
0x75: {  	s0 =	simm.s32 @!p0 $0x5  }
0x76: {  	_ =	swait.ge @!p0 [sflag:s0], s1  }
0x77: {  	s1 =	ssub.s32 @!p0 $0x0, s1;
	[sflag:s0] =	ssyncset.done @!p0 $0x0  }
0x78: {  	[sflag:s0] =	ssyncadd.s32 @!p0 s1  }
0x79: {  	[bflag:$0x3] =	sbarrier.arrive $0xFFFF  }
0x7a: {  	_ =	shalt  }

</sc_bundles>
